<compile_context>
chip_gen: v7x
topology: tpu7x:2x2x1
jax: 0.10.2.dev20260603
libtpu: 0.0.44.dev20260713+nightly
codegen_flags: <defaults>
</compile_context>

<pallas_src>
import functools

import jax
import jax.numpy as jnp
from jax import lax
from jax.experimental import pallas as pl
from jax.experimental.pallas import tpu as pltpu
from jax.experimental.pallas import tpu_sc as plsc

NUM_EMB = 1000000
DIM = 64
ROWS = 16384
COLS = 50
B_TOTAL = ROWS * COLS
NUM_CORES = 2
NUM_SUBCORES = 16
NW = NUM_CORES * NUM_SUBCORES
B_PER_W = B_TOTAL // NW
CHUNK = 200
N_CHUNKS = B_PER_W // CHUNK
NBUF = 4
NFLY = 3
LAG = NBUF - NFLY

_mesh = plsc.VectorSubcoreMesh(
    core_axis_name="c", subcore_axis_name="s",
    num_cores=NUM_CORES, num_subcores=NUM_SUBCORES)


@functools.partial(
    pl.kernel,
    mesh=_mesh,
    out_type=jax.ShapeDtypeStruct((B_TOTAL, DIM), jnp.float32),
    scratch_types=[
        pltpu.VMEM((B_PER_W,), jnp.int32),
        pltpu.VMEM((NBUF, CHUNK, DIM), jnp.float32),
    ] + [pltpu.SemaphoreType.DMA] * (2 * NBUF),
    compiler_params=pltpu.CompilerParams(use_tc_tiling_on_sc=False),
)
def _embed_sc(idx_hbm, table_hbm, out_hbm, idx_v, rows_v, *sems):
    gsem = sems[:NBUF]
    osem = sems[NBUF:]
    wid = lax.axis_index("s") * NUM_CORES + lax.axis_index("c")
    base = wid * B_PER_W

    pltpu.sync_copy(idx_hbm.at[pl.ds(base, B_PER_W)], idx_v)

    def idx_slice(g):
        return idx_v.at[pl.ds(g * CHUNK, CHUNK)]

    def fire_gather(g, b):
        pltpu.async_copy(table_hbm.at[idx_slice(g)], rows_v.at[b], gsem[b])

    def wait_gather(g, b):
        pltpu.make_async_copy(table_hbm.at[idx_slice(g)], rows_v.at[b],
                              gsem[b]).wait()

    def out_slice(g):
        return out_hbm.at[pl.ds(base + g * CHUNK, CHUNK)]

    def fire_out(g, b):
        pltpu.async_copy(rows_v.at[b], out_slice(g), osem[b])

    def wait_out(g, b):
        pltpu.make_async_copy(rows_v.at[b], out_slice(g), osem[b]).wait()

    for b in range(NFLY):
        fire_gather(b, b)

    def body(q, carry):
        for b in range(NBUF):
            g = q * NBUF + b
            wait_gather(g, b)
            fire_out(g, b)

            @pl.when(g >= LAG)
            def _():
                wait_out(g - LAG, (b - LAG) % NBUF)

            @pl.when(g < N_CHUNKS - NFLY)
            def _():
                fire_gather(g + NFLY, (b + NFLY) % NBUF)
        return carry

    lax.fori_loop(0, N_CHUNKS // NBUF, body, 0)

    for i in range(LAG):
        g = N_CHUNKS - LAG + i
        wait_out(g, g % NBUF)


def kernel(input_, weight):
    out = _embed_sc(input_.astype(jnp.int32).reshape(-1), weight)
    return out.reshape(ROWS, COLS, DIM)

# --- scband reference (transcript-rebuilt; emitter-appended) ---
"""Pipeline reference for scband-vocab-parallel-embedding-57552561766984 (READ-ONLY COPY).

The authoritative reference and input builder live on the scoring server;
editing this copy changes nothing except your own understanding.
"""

import jax, jax.numpy as jnp
import numpy as np

NUM_EMBEDDINGS = 1000000
EMBEDDING_DIM = 64

def setup_inputs(seed: int = 0) -> dict:
    key = jax.random.key(seed)
    k_idx, k_w = jax.random.split(key)
    input_ = jax.random.randint(k_idx, (16384, 50), 0, NUM_EMBEDDINGS, dtype=jnp.int64)
    weight = jax.random.normal(k_w, (NUM_EMBEDDINGS, EMBEDDING_DIM), dtype=jnp.float32) * 0.02
    return {"input_": input_, "weight": weight}

def reference(input_, weight):
    # tensor_model_parallel_size == 1 path: plain embedding lookup.
    # vocab_start_index = 0, vocab_end_index = NUM_EMBEDDINGS, so no masking.
    output = jnp.take(weight, input_, axis=0)
    return output

if __name__ == "__main__":
    import jax
    _d = setup_inputs()
    print(jax.jit(kernel)(*tuple(_d.values())))

</pallas_src>

<mosaic_0001>
#map = affine_map<(d0, d1) -> (0)>
#map1 = affine_map<(d0, d1) -> (0, 0)>
module attributes {stable_mosaic.version = 14 : i64} {
  func.func @_embed_sc(%arg0: i32, %arg1: i32, %arg2: memref<819200xi32, #tpu.memory_space<hbm>>, %arg3: memref<1000000x64xf32, #tpu.memory_space<hbm>>, %arg4: memref<819200x64xf32, #tpu.memory_space<hbm>>, %arg5: memref<25600xi32, #tpu.memory_space<vmem>>, %arg6: memref<4x200x64xf32, #tpu.memory_space<vmem>>, %arg7: memref<!tpu.dma_semaphore, #tpu.memory_space<semaphore_mem>>, %arg8: memref<!tpu.dma_semaphore, #tpu.memory_space<semaphore_mem>>, %arg9: memref<!tpu.dma_semaphore, #tpu.memory_space<semaphore_mem>>, %arg10: memref<!tpu.dma_semaphore, #tpu.memory_space<semaphore_mem>>, %arg11: memref<!tpu.dma_semaphore, #tpu.memory_space<semaphore_mem>>, %arg12: memref<!tpu.dma_semaphore, #tpu.memory_space<semaphore_mem>>, %arg13: memref<!tpu.dma_semaphore, #tpu.memory_space<semaphore_mem>>, %arg14: memref<!tpu.dma_semaphore, #tpu.memory_space<semaphore_mem>>) attributes {dimension_semantics = [#tpu.dimension_semantics<core_parallel>, #tpu.dimension_semantics<subcore_parallel>], iteration_bounds = array<i64: 2, 16>, scalar_prefetch = 0 : i64, scratch_operands = 10 : i64, tpu.core_type = #tpu.core_type<sc_vector_subcore>, window_params = [{transform_indices = #map}, {transform_indices = #map1}, {transform_indices = #map1}]} {
    %mul3A = arith.constant 2 : i32
    %mul3A_0 = arith.muli %arg1, %mul3A : i32
    %add3A = arith.addi %mul3A_0, %arg0 : i32
    %mul3A_1 = arith.constant 25600 : i32
    %mul3A_2 = arith.muli %add3A, %mul3A_1 : i32
    "tpu.region"() ({
      %run_scoped3A = tpu.sem_alloc : memref<!tpu.dma_semaphore, #tpu.memory_space<semaphore_mem>>
      %dma_start3A_51 = tpu.memref_slice %arg2[%mul3A_2] : memref<819200xi32, #tpu.memory_space<hbm>> -> memref<25600xi32, #tpu.memory_space<hbm>>
      %dma_start3A_52 = tpu.memref_slice %arg2[%mul3A_2] : memref<819200xi32, #tpu.memory_space<hbm>> -> memref<25600xi32, #tpu.memory_space<hbm>>
      tpu.enqueue_dma source(%dma_start3A_52 : memref<25600xi32, #tpu.memory_space<hbm>>) target(%arg5 : memref<25600xi32, #tpu.memory_space<vmem>>) target_semaphore(%run_scoped3A : memref<!tpu.dma_semaphore, #tpu.memory_space<semaphore_mem>>)
      %dma_wait3A_53 = tpu.memref_slice %arg2[%mul3A_2] : memref<819200xi32, #tpu.memory_space<hbm>> -> memref<25600xi32, #tpu.memory_space<hbm>>
      %dma_wait3A_54 = tpu.memref_slice %arg2[%mul3A_2] : memref<819200xi32, #tpu.memory_space<hbm>> -> memref<25600xi32, #tpu.memory_space<hbm>>
      tpu.wait_dma2 semaphore(%run_scoped3A : memref<!tpu.dma_semaphore, #tpu.memory_space<semaphore_mem>>) src(%dma_wait3A_54 : memref<25600xi32, #tpu.memory_space<hbm>>) dst(%arg5 : memref<25600xi32, #tpu.memory_space<vmem>>)
      tpu.yield
    }) : () -> ()
    %dma_start3A = arith.constant 0 : i32
    %dma_start3A_3 = arith.constant 0 : i32
    %dma_start3A_4 = arith.constant 0 : i32
    %dma_start3A_5 = tpu.memref_slice %arg6[%dma_start3A, %dma_start3A_3, %dma_start3A_4] : memref<4x200x64xf32, #tpu.memory_space<vmem>> -> memref<1x200x64xf32, #tpu.memory_space<vmem>>
    %dma_start3A_6 = tpu.memref_squeeze %dma_start3A_5 : memref<1x200x64xf32, #tpu.memory_space<vmem>> -> memref<200x64xf32, #tpu.memory_space<vmem>>
    %dma_start3A_7 = arith.constant 0 : i32
    %dma_start3A_8 = tpu.memref_slice %arg5[%dma_start3A_7] : memref<25600xi32, #tpu.memory_space<vmem>> -> memref<200xi32, #tpu.memory_space<vmem>>
    %dma_start3A_9 = arith.constant 0 : i32
    %dma_start3A_10 = arith.constant 0 : i32
    %dma_start3A_11 = tpu.memref_slice %arg3[%dma_start3A_9, %dma_start3A_10] : memref<1000000x64xf32, #tpu.memory_space<hbm>> -> memref<1000000x64xf32, #tpu.memory_space<hbm>>
    tpu.enqueue_indirect_dma source(%dma_start3A_11 : memref<1000000x64xf32, #tpu.memory_space<hbm>>) target(%dma_start3A_6 : memref<200x64xf32, #tpu.memory_space<vmem>>) offsets(%dma_start3A_8 : memref<200xi32, #tpu.memory_space<vmem>>) semaphore(%arg7 : memref<!tpu.dma_semaphore, #tpu.memory_space<semaphore_mem>>)
    %dma_start3A_12 = arith.constant 1 : i32
    %dma_start3A_13 = arith.constant 0 : i32
    %dma_start3A_14 = arith.constant 0 : i32
    %dma_start3A_15 = tpu.memref_slice %arg6[%dma_start3A_12, %dma_start3A_13, %dma_start3A_14] : memref<4x200x64xf32, #tpu.memory_space<vmem>> -> memref<1x200x64xf32, #tpu.memory_space<vmem>>
    %dma_start3A_16 = tpu.memref_squeeze %dma_start3A_15 : memref<1x200x64xf32, #tpu.memory_space<vmem>> -> memref<200x64xf32, #tpu.memory_space<vmem>>
    %dma_start3A_17 = arith.constant 200 : i32
    %dma_start3A_18 = tpu.memref_slice %arg5[%dma_start3A_17] : memref<25600xi32, #tpu.memory_space<vmem>> -> memref<200xi32, #tpu.memory_space<vmem>>
    %dma_start3A_19 = arith.constant 0 : i32
    %dma_start3A_20 = arith.constant 0 : i32
    %dma_start3A_21 = tpu.memref_slice %arg3[%dma_start3A_19, %dma_start3A_20] : memref<1000000x64xf32, #tpu.memory_space<hbm>> -> memref<1000000x64xf32, #tpu.memory_space<hbm>>
    tpu.enqueue_indirect_dma source(%dma_start3A_21 : memref<1000000x64xf32, #tpu.memory_space<hbm>>) target(%dma_start3A_16 : memref<200x64xf32, #tpu.memory_space<vmem>>) offsets(%dma_start3A_18 : memref<200xi32, #tpu.memory_space<vmem>>) semaphore(%arg8 : memref<!tpu.dma_semaphore, #tpu.memory_space<semaphore_mem>>)
    %dma_start3A_22 = arith.constant 2 : i32
    %dma_start3A_23 = arith.constant 0 : i32
    %dma_start3A_24 = arith.constant 0 : i32
    %dma_start3A_25 = tpu.memref_slice %arg6[%dma_start3A_22, %dma_start3A_23, %dma_start3A_24] : memref<4x200x64xf32, #tpu.memory_space<vmem>> -> memref<1x200x64xf32, #tpu.memory_space<vmem>>
    %dma_start3A_26 = tpu.memref_squeeze %dma_start3A_25 : memref<1x200x64xf32, #tpu.memory_space<vmem>> -> memref<200x64xf32, #tpu.memory_space<vmem>>
    %dma_start3A_27 = arith.constant 400 : i32
    %dma_start3A_28 = tpu.memref_slice %arg5[%dma_start3A_27] : memref<25600xi32, #tpu.memory_space<vmem>> -> memref<200xi32, #tpu.memory_space<vmem>>
    %dma_start3A_29 = arith.constant 0 : i32
    %dma_start3A_30 = arith.constant 0 : i32
    %dma_start3A_31 = tpu.memref_slice %arg3[%dma_start3A_29, %dma_start3A_30] : memref<1000000x64xf32, #tpu.memory_space<hbm>> -> memref<1000000x64xf32, #tpu.memory_space<hbm>>
    tpu.enqueue_indirect_dma source(%dma_start3A_31 : memref<1000000x64xf32, #tpu.memory_space<hbm>>) target(%dma_start3A_26 : memref<200x64xf32, #tpu.memory_space<vmem>>) offsets(%dma_start3A_28 : memref<200xi32, #tpu.memory_space<vmem>>) semaphore(%arg9 : memref<!tpu.dma_semaphore, #tpu.memory_space<semaphore_mem>>)
    %scan3A = arith.constant 0 : i32
    %scan3A_32 = arith.constant 0 : i32
    %scan3A_33 = arith.constant 32 : i32
    %scan3A_34 = arith.addi %scan3A_32, %scan3A_33 : i32
    %scan3A_35 = arith.constant 1 : i32
    scf.for %scan3A_51 = %scan3A_32 to %scan3A_34 step %scan3A_35  : i32 {
      %mul3A_52 = arith.constant 4 : i32
      %mul3A_53 = arith.muli %scan3A_51, %mul3A_52 : i32
      %add3A_54 = arith.constant 0 : i32
      %add3A_55 = arith.addi %mul3A_53, %add3A_54 : i32
      %mul3A_56 = arith.constant 200 : i32
      %mul3A_57 = arith.muli %add3A_55, %mul3A_56 : i32
      %dma_wait3A_58 = arith.constant 0 : i32
      %dma_wait3A_59 = arith.constant 0 : i32
      %dma_wait3A_60 = arith.constant 0 : i32
      %dma_wait3A_61 = tpu.memref_slice %arg6[%dma_wait3A_58, %dma_wait3A_59, %dma_wait3A_60] : memref<4x200x64xf32, #tpu.memory_space<vmem>> -> memref<1x200x64xf32, #tpu.memory_space<vmem>>
      %dma_wait3A_62 = tpu.memref_squeeze %dma_wait3A_61 : memref<1x200x64xf32, #tpu.memory_space<vmem>> -> memref<200x64xf32, #tpu.memory_space<vmem>>
      %dma_wait3A_63 = tpu.memref_slice %arg5[%mul3A_57] : memref<25600xi32, #tpu.memory_space<vmem>> -> memref<200xi32, #tpu.memory_space<vmem>>
      %dma_wait3A_64 = arith.constant 0 : i32
      %dma_wait3A_65 = arith.constant 0 : i32
      %dma_wait3A_66 = tpu.memref_slice %arg3[%dma_wait3A_64, %dma_wait3A_65] : memref<1000000x64xf32, #tpu.memory_space<hbm>> -> memref<1000000x64xf32, #tpu.memory_space<hbm>>
      tpu.wait_indirect_dma semaphore(%arg7 : memref<!tpu.dma_semaphore, #tpu.memory_space<semaphore_mem>>) src(%dma_wait3A_66 : memref<1000000x64xf32, #tpu.memory_space<hbm>>) dst(%dma_wait3A_62 : memref<200x64xf32, #tpu.memory_space<vmem>>)
      %mul3A_67 = arith.constant 200 : i32
      %mul3A_68 = arith.muli %add3A_55, %mul3A_67 : i32
      %add3A_69 = arith.addi %mul3A_2, %mul3A_68 : i32
      %dma_start3A_70 = arith.constant 0 : i32
      %dma_start3A_71 = arith.constant 0 : i32
      %dma_start3A_72 = arith.constant 0 : i32
      %dma_start3A_73 = tpu.memref_slice %arg6[%dma_start3A_70, %dma_start3A_71, %dma_start3A_72] : memref<4x200x64xf32, #tpu.memory_space<vmem>> -> memref<1x200x64xf32, #tpu.memory_space<vmem>>
      %dma_start3A_74 = tpu.memref_squeeze %dma_start3A_73 : memref<1x200x64xf32, #tpu.memory_space<vmem>> -> memref<200x64xf32, #tpu.memory_space<vmem>>
      %dma_start3A_75 = arith.constant 0 : i32
      %dma_start3A_76 = tpu.memref_slice %arg4[%add3A_69, %dma_start3A_75] : memref<819200x64xf32, #tpu.memory_space<hbm>> -> memref<200x64xf32, #tpu.memory_space<hbm>>
      %dma_start3A_77 = arith.constant 0 : i32
      %dma_start3A_78 = tpu.memref_slice %arg4[%add3A_69, %dma_start3A_77] : memref<819200x64xf32, #tpu.memory_space<hbm>> -> memref<200x64xf32, #tpu.memory_space<hbm>>
      %dma_start3A_79 = arith.constant 0 : i32
      %dma_start3A_80 = arith.constant 0 : i32
      %dma_start3A_81 = tpu.memref_slice %arg6[%dma_start3A_70, %dma_start3A_79, %dma_start3A_80] : memref<4x200x64xf32, #tpu.memory_space<vmem>> -> memref<1x200x64xf32, #tpu.memory_space<vmem>>
      %dma_start3A_82 = tpu.memref_squeeze %dma_start3A_81 : memref<1x200x64xf32, #tpu.memory_space<vmem>> -> memref<200x64xf32, #tpu.memory_space<vmem>>
      tpu.enqueue_dma source(%dma_start3A_82 : memref<200x64xf32, #tpu.memory_space<vmem>>) target(%dma_start3A_78 : memref<200x64xf32, #tpu.memory_space<hbm>>) target_semaphore(%arg11 : memref<!tpu.dma_semaphore, #tpu.memory_space<semaphore_mem>>)
      %ge3A = arith.constant 1 : i32
      %ge3A_83 = arith.cmpi sge, %add3A_55, %ge3A : i32
      %convert_element_type3A = arith.extui %ge3A_83 : i1 to i32
      %cond3A = arith.constant 0 : i32
      %cond3A_84 = arith.cmpi ne, %convert_element_type3A, %cond3A : i32
      scf.if %cond3A_84 {
        %sub3A = arith.constant 1 : i32
        %sub3A_212 = arith.subi %add3A_55, %sub3A : i32
        %mul3A_213 = arith.constant 200 : i32
        %mul3A_214 = arith.muli %sub3A_212, %mul3A_213 : i32
        %add3A_215 = arith.addi %mul3A_2, %mul3A_214 : i32
        %dma_wait3A_216 = arith.constant 3 : i32
        %dma_wait3A_217 = arith.constant 0 : i32
        %dma_wait3A_218 = arith.constant 0 : i32
        %dma_wait3A_219 = tpu.memref_slice %arg6[%dma_wait3A_216, %dma_wait3A_217, %dma_wait3A_218] : memref<4x200x64xf32, #tpu.memory_space<vmem>> -> memref<1x200x64xf32, #tpu.memory_space<vmem>>
        %dma_wait3A_220 = tpu.memref_squeeze %dma_wait3A_219 : memref<1x200x64xf32, #tpu.memory_space<vmem>> -> memref<200x64xf32, #tpu.memory_space<vmem>>
        %dma_wait3A_221 = arith.constant 0 : i32
        %dma_wait3A_222 = tpu.memref_slice %arg4[%add3A_215, %dma_wait3A_221] : memref<819200x64xf32, #tpu.memory_space<hbm>> -> memref<200x64xf32, #tpu.memory_space<hbm>>
        %dma_wait3A_223 = arith.constant 0 : i32
        %dma_wait3A_224 = tpu.memref_slice %arg4[%add3A_215, %dma_wait3A_223] : memref<819200x64xf32, #tpu.memory_space<hbm>> -> memref<200x64xf32, #tpu.memory_space<hbm>>
        %dma_wait3A_225 = arith.constant 0 : i32
        %dma_wait3A_226 = arith.constant 0 : i32
        %dma_wait3A_227 = tpu.memref_slice %arg6[%dma_wait3A_216, %dma_wait3A_225, %dma_wait3A_226] : memref<4x200x64xf32, #tpu.memory_space<vmem>> -> memref<1x200x64xf32, #tpu.memory_space<vmem>>
        %dma_wait3A_228 = tpu.memref_squeeze %dma_wait3A_227 : memref<1x200x64xf32, #tpu.memory_space<vmem>> -> memref<200x64xf32, #tpu.memory_space<vmem>>
        tpu.wait_dma2 semaphore(%arg14 : memref<!tpu.dma_semaphore, #tpu.memory_space<semaphore_mem>>) src(%dma_wait3A_228 : memref<200x64xf32, #tpu.memory_space<vmem>>) dst(%dma_wait3A_224 : memref<200x64xf32, #tpu.memory_space<hbm>>)
      } else {
      }
      %lt3A = arith.constant 125 : i32
      %lt3A_85 = arith.cmpi slt, %add3A_55, %lt3A : i32
      %convert_element_type3A_86 = arith.extui %lt3A_85 : i1 to i32
      %cond3A_87 = arith.constant 0 : i32
      %cond3A_88 = arith.cmpi ne, %convert_element_type3A_86, %cond3A_87 : i32
      scf.if %cond3A_88 {
        %add3A_212 = arith.constant 3 : i32
        %add3A_213 = arith.addi %add3A_55, %add3A_212 : i32
        %mul3A_214 = arith.constant 200 : i32
        %mul3A_215 = arith.muli %add3A_213, %mul3A_214 : i32
        %dma_start3A_216 = arith.constant 3 : i32
        %dma_start3A_217 = arith.constant 0 : i32
        %dma_start3A_218 = arith.constant 0 : i32
        %dma_start3A_219 = tpu.memref_slice %arg6[%dma_start3A_216, %dma_start3A_217, %dma_start3A_218] : memref<4x200x64xf32, #tpu.memory_space<vmem>> -> memref<1x200x64xf32, #tpu.memory_space<vmem>>
        %dma_start3A_220 = tpu.memref_squeeze %dma_start3A_219 : memref<1x200x64xf32, #tpu.memory_space<vmem>> -> memref<200x64xf32, #tpu.memory_space<vmem>>
        %dma_start3A_221 = tpu.memref_slice %arg5[%mul3A_215] : memref<25600xi32, #tpu.memory_space<vmem>> -> memref<200xi32, #tpu.memory_space<vmem>>
        %dma_start3A_222 = arith.constant 0 : i32
        %dma_start3A_223 = arith.constant 0 : i32
        %dma_start3A_224 = tpu.memref_slice %arg3[%dma_start3A_222, %dma_start3A_223] : memref<1000000x64xf32, #tpu.memory_space<hbm>> -> memref<1000000x64xf32, #tpu.memory_space<hbm>>
        tpu.enqueue_indirect_dma source(%dma_start3A_224 : memref<1000000x64xf32, #tpu.memory_space<hbm>>) target(%dma_start3A_220 : memref<200x64xf32, #tpu.memory_space<vmem>>) offsets(%dma_start3A_221 : memref<200xi32, #tpu.memory_space<vmem>>) semaphore(%arg10 : memref<!tpu.dma_semaphore, #tpu.memory_space<semaphore_mem>>)
      } else {
      }
      %mul3A_89 = arith.constant 4 : i32
      %mul3A_90 = arith.muli %scan3A_51, %mul3A_89 : i32
      %add3A_91 = arith.constant 1 : i32
      %add3A_92 = arith.addi %mul3A_90, %add3A_91 : i32
      %mul3A_93 = arith.constant 200 : i32
      %mul3A_94 = arith.muli %add3A_92, %mul3A_93 : i32
      %dma_wait3A_95 = arith.constant 1 : i32
      %dma_wait3A_96 = arith.constant 0 : i32
      %dma_wait3A_97 = arith.constant 0 : i32
      %dma_wait3A_98 = tpu.memref_slice %arg6[%dma_wait3A_95, %dma_wait3A_96, %dma_wait3A_97] : memref<4x200x64xf32, #tpu.memory_space<vmem>> -> memref<1x200x64xf32, #tpu.memory_space<vmem>>
      %dma_wait3A_99 = tpu.memref_squeeze %dma_wait3A_98 : memref<1x200x64xf32, #tpu.memory_space<vmem>> -> memref<200x64xf32, #tpu.memory_space<vmem>>
      %dma_wait3A_100 = tpu.memref_slice %arg5[%mul3A_94] : memref<25600xi32, #tpu.memory_space<vmem>> -> memref<200xi32, #tpu.memory_space<vmem>>
      %dma_wait3A_101 = arith.constant 0 : i32
      %dma_wait3A_102 = arith.constant 0 : i32
      %dma_wait3A_103 = tpu.memref_slice %arg3[%dma_wait3A_101, %dma_wait3A_102] : memref<1000000x64xf32, #tpu.memory_space<hbm>> -> memref<1000000x64xf32, #tpu.memory_space<hbm>>
      tpu.wait_indirect_dma semaphore(%arg8 : memref<!tpu.dma_semaphore, #tpu.memory_space<semaphore_mem>>) src(%dma_wait3A_103 : memref<1000000x64xf32, #tpu.memory_space<hbm>>) dst(%dma_wait3A_99 : memref<200x64xf32, #tpu.memory_space<vmem>>)
      %mul3A_104 = arith.constant 200 : i32
      %mul3A_105 = arith.muli %add3A_92, %mul3A_104 : i32
      %add3A_106 = arith.addi %mul3A_2, %mul3A_105 : i32
      %dma_start3A_107 = arith.constant 1 : i32
      %dma_start3A_108 = arith.constant 0 : i32
      %dma_start3A_109 = arith.constant 0 : i32
      %dma_start3A_110 = tpu.memref_slice %arg6[%dma_start3A_107, %dma_start3A_108, %dma_start3A_109] : memref<4x200x64xf32, #tpu.memory_space<vmem>> -> memref<1x200x64xf32, #tpu.memory_space<vmem>>
      %dma_start3A_111 = tpu.memref_squeeze %dma_start3A_110 : memref<1x200x64xf32, #tpu.memory_space<vmem>> -> memref<200x64xf32, #tpu.memory_space<vmem>>
      %dma_start3A_112 = arith.constant 0 : i32
      %dma_start3A_113 = tpu.memref_slice %arg4[%add3A_106, %dma_start3A_112] : memref<819200x64xf32, #tpu.memory_space<hbm>> -> memref<200x64xf32, #tpu.memory_space<hbm>>
      %dma_start3A_114 = arith.constant 0 : i32
      %dma_start3A_115 = tpu.memref_slice %arg4[%add3A_106, %dma_start3A_114] : memref<819200x64xf32, #tpu.memory_space<hbm>> -> memref<200x64xf32, #tpu.memory_space<hbm>>
      %dma_start3A_116 = arith.constant 0 : i32
      %dma_start3A_117 = arith.constant 0 : i32
      %dma_start3A_118 = tpu.memref_slice %arg6[%dma_start3A_107, %dma_start3A_116, %dma_start3A_117] : memref<4x200x64xf32, #tpu.memory_space<vmem>> -> memref<1x200x64xf32, #tpu.memory_space<vmem>>
      %dma_start3A_119 = tpu.memref_squeeze %dma_start3A_118 : memref<1x200x64xf32, #tpu.memory_space<vmem>> -> memref<200x64xf32, #tpu.memory_space<vmem>>
      tpu.enqueue_dma source(%dma_start3A_119 : memref<200x64xf32, #tpu.memory_space<vmem>>) target(%dma_start3A_115 : memref<200x64xf32, #tpu.memory_space<hbm>>) target_semaphore(%arg12 : memref<!tpu.dma_semaphore, #tpu.memory_space<semaphore_mem>>)
      %ge3A_120 = arith.constant 1 : i32
      %ge3A_121 = arith.cmpi sge, %add3A_92, %ge3A_120 : i32
      %convert_element_type3A_122 = arith.extui %ge3A_121 : i1 to i32
      %cond3A_123 = arith.constant 0 : i32
      %cond3A_124 = arith.cmpi ne, %convert_element_type3A_122, %cond3A_123 : i32
      scf.if %cond3A_124 {
        %sub3A = arith.constant 1 : i32
        %sub3A_212 = arith.subi %add3A_92, %sub3A : i32
        %mul3A_213 = arith.constant 200 : i32
        %mul3A_214 = arith.muli %sub3A_212, %mul3A_213 : i32
        %add3A_215 = arith.addi %mul3A_2, %mul3A_214 : i32
        %dma_wait3A_216 = arith.constant 0 : i32
        %dma_wait3A_217 = arith.constant 0 : i32
        %dma_wait3A_218 = arith.constant 0 : i32
        %dma_wait3A_219 = tpu.memref_slice %arg6[%dma_wait3A_216, %dma_wait3A_217, %dma_wait3A_218] : memref<4x200x64xf32, #tpu.memory_space<vmem>> -> memref<1x200x64xf32, #tpu.memory_space<vmem>>
        %dma_wait3A_220 = tpu.memref_squeeze %dma_wait3A_219 : memref<1x200x64xf32, #tpu.memory_space<vmem>> -> memref<200x64xf32, #tpu.memory_space<vmem>>
        %dma_wait3A_221 = arith.constant 0 : i32
        %dma_wait3A_222 = tpu.memref_slice %arg4[%add3A_215, %dma_wait3A_221] : memref<819200x64xf32, #tpu.memory_space<hbm>> -> memref<200x64xf32, #tpu.memory_space<hbm>>
        %dma_wait3A_223 = arith.constant 0 : i32
        %dma_wait3A_224 = tpu.memref_slice %arg4[%add3A_215, %dma_wait3A_223] : memref<819200x64xf32, #tpu.memory_space<hbm>> -> memref<200x64xf32, #tpu.memory_space<hbm>>
        %dma_wait3A_225 = arith.constant 0 : i32
        %dma_wait3A_226 = arith.constant 0 : i32
        %dma_wait3A_227 = tpu.memref_slice %arg6[%dma_wait3A_216, %dma_wait3A_225, %dma_wait3A_226] : memref<4x200x64xf32, #tpu.memory_space<vmem>> -> memref<1x200x64xf32, #tpu.memory_space<vmem>>
        %dma_wait3A_228 = tpu.memref_squeeze %dma_wait3A_227 : memref<1x200x64xf32, #tpu.memory_space<vmem>> -> memref<200x64xf32, #tpu.memory_space<vmem>>
        tpu.wait_dma2 semaphore(%arg11 : memref<!tpu.dma_semaphore, #tpu.memory_space<semaphore_mem>>) src(%dma_wait3A_228 : memref<200x64xf32, #tpu.memory_space<vmem>>) dst(%dma_wait3A_224 : memref<200x64xf32, #tpu.memory_space<hbm>>)
      } else {
      }
      %lt3A_125 = arith.constant 125 : i32
      %lt3A_126 = arith.cmpi slt, %add3A_92, %lt3A_125 : i32
      %convert_element_type3A_127 = arith.extui %lt3A_126 : i1 to i32
      %cond3A_128 = arith.constant 0 : i32
      %cond3A_129 = arith.cmpi ne, %convert_element_type3A_127, %cond3A_128 : i32
      scf.if %cond3A_129 {
        %add3A_212 = arith.constant 3 : i32
        %add3A_213 = arith.addi %add3A_92, %add3A_212 : i32
        %mul3A_214 = arith.constant 200 : i32
        %mul3A_215 = arith.muli %add3A_213, %mul3A_214 : i32
        %dma_start3A_216 = arith.constant 0 : i32
        %dma_start3A_217 = arith.constant 0 : i32
        %dma_start3A_218 = arith.constant 0 : i32
        %dma_start3A_219 = tpu.memref_slice %arg6[%dma_start3A_216, %dma_start3A_217, %dma_start3A_218] : memref<4x200x64xf32, #tpu.memory_space<vmem>> -> memref<1x200x64xf32, #tpu.memory_space<vmem>>
        %dma_start3A_220 = tpu.memref_squeeze %dma_start3A_219 : memref<1x200x64xf32, #tpu.memory_space<vmem>> -> memref<200x64xf32, #tpu.memory_space<vmem>>
        %dma_start3A_221 = tpu.memref_slice %arg5[%mul3A_215] : memref<25600xi32, #tpu.memory_space<vmem>> -> memref<200xi32, #tpu.memory_space<vmem>>
        %dma_start3A_222 = arith.constant 0 : i32
        %dma_start3A_223 = arith.constant 0 : i32
        %dma_start3A_224 = tpu.memref_slice %arg3[%dma_start3A_222, %dma_start3A_223] : memref<1000000x64xf32, #tpu.memory_space<hbm>> -> memref<1000000x64xf32, #tpu.memory_space<hbm>>
        tpu.enqueue_indirect_dma source(%dma_start3A_224 : memref<1000000x64xf32, #tpu.memory_space<hbm>>) target(%dma_start3A_220 : memref<200x64xf32, #tpu.memory_space<vmem>>) offsets(%dma_start3A_221 : memref<200xi32, #tpu.memory_space<vmem>>) semaphore(%arg7 : memref<!tpu.dma_semaphore, #tpu.memory_space<semaphore_mem>>)
      } else {
      }
      %mul3A_130 = arith.constant 4 : i32
      %mul3A_131 = arith.muli %scan3A_51, %mul3A_130 : i32
      %add3A_132 = arith.constant 2 : i32
      %add3A_133 = arith.addi %mul3A_131, %add3A_132 : i32
      %mul3A_134 = arith.constant 200 : i32
      %mul3A_135 = arith.muli %add3A_133, %mul3A_134 : i32
      %dma_wait3A_136 = arith.constant 2 : i32
      %dma_wait3A_137 = arith.constant 0 : i32
      %dma_wait3A_138 = arith.constant 0 : i32
      %dma_wait3A_139 = tpu.memref_slice %arg6[%dma_wait3A_136, %dma_wait3A_137, %dma_wait3A_138] : memref<4x200x64xf32, #tpu.memory_space<vmem>> -> memref<1x200x64xf32, #tpu.memory_space<vmem>>
      %dma_wait3A_140 = tpu.memref_squeeze %dma_wait3A_139 : memref<1x200x64xf32, #tpu.memory_space<vmem>> -> memref<200x64xf32, #tpu.memory_space<vmem>>
      %dma_wait3A_141 = tpu.memref_slice %arg5[%mul3A_135] : memref<25600xi32, #tpu.memory_space<vmem>> -> memref<200xi32, #tpu.memory_space<vmem>>
      %dma_wait3A_142 = arith.constant 0 : i32
      %dma_wait3A_143 = arith.constant 0 : i32
      %dma_wait3A_144 = tpu.memref_slice %arg3[%dma_wait3A_142, %dma_wait3A_143] : memref<1000000x64xf32, #tpu.memory_space<hbm>> -> memref<1000000x64xf32, #tpu.memory_space<hbm>>
      tpu.wait_indirect_dma semaphore(%arg9 : memref<!tpu.dma_semaphore, #tpu.memory_space<semaphore_mem>>) src(%dma_wait3A_144 : memref<1000000x64xf32, #tpu.memory_space<hbm>>) dst(%dma_wait3A_140 : memref<200x64xf32, #tpu.memory_space<vmem>>)
      %mul3A_145 = arith.constant 200 : i32
      %mul3A_146 = arith.muli %add3A_133, %mul3A_145 : i32
      %add3A_147 = arith.addi %mul3A_2, %mul3A_146 : i32
      %dma_start3A_148 = arith.constant 2 : i32
      %dma_start3A_149 = arith.constant 0 : i32
      %dma_start3A_150 = arith.constant 0 : i32
      %dma_start3A_151 = tpu.memref_slice %arg6[%dma_start3A_148, %dma_start3A_149, %dma_start3A_150] : memref<4x200x64xf32, #tpu.memory_space<vmem>> -> memref<1x200x64xf32, #tpu.memory_space<vmem>>
      %dma_start3A_152 = tpu.memref_squeeze %dma_start3A_151 : memref<1x200x64xf32, #tpu.memory_space<vmem>> -> memref<200x64xf32, #tpu.memory_space<vmem>>
      %dma_start3A_153 = arith.constant 0 : i32
      %dma_start3A_154 = tpu.memref_slice %arg4[%add3A_147, %dma_start3A_153] : memref<819200x64xf32, #tpu.memory_space<hbm>> -> memref<200x64xf32, #tpu.memory_space<hbm>>
      %dma_start3A_155 = arith.constant 0 : i32
      %dma_start3A_156 = tpu.memref_slice %arg4[%add3A_147, %dma_start3A_155] : memref<819200x64xf32, #tpu.memory_space<hbm>> -> memref<200x64xf32, #tpu.memory_space<hbm>>
      %dma_start3A_157 = arith.constant 0 : i32
      %dma_start3A_158 = arith.constant 0 : i32
      %dma_start3A_159 = tpu.memref_slice %arg6[%dma_start3A_148, %dma_start3A_157, %dma_start3A_158] : memref<4x200x64xf32, #tpu.memory_space<vmem>> -> memref<1x200x64xf32, #tpu.memory_space<vmem>>
      %dma_start3A_160 = tpu.memref_squeeze %dma_start3A_159 : memref<1x200x64xf32, #tpu.memory_space<vmem>> -> memref<200x64xf32, #tpu.memory_space<vmem>>
      tpu.enqueue_dma source(%dma_start3A_160 : memref<200x64xf32, #tpu.memory_space<vmem>>) target(%dma_start3A_156 : memref<200x64xf32, #tpu.memory_space<hbm>>) target_semaphore(%arg13 : memref<!tpu.dma_semaphore, #tpu.memory_space<semaphore_mem>>)
      %ge3A_161 = arith.constant 1 : i32
      %ge3A_162 = arith.cmpi sge, %add3A_133, %ge3A_161 : i32
      %convert_element_type3A_163 = arith.extui %ge3A_162 : i1 to i32
      %cond3A_164 = arith.constant 0 : i32
      %cond3A_165 = arith.cmpi ne, %convert_element_type3A_163, %cond3A_164 : i32
      scf.if %cond3A_165 {
        %sub3A = arith.constant 1 : i32
        %sub3A_212 = arith.subi %add3A_133, %sub3A : i32
        %mul3A_213 = arith.constant 200 : i32
        %mul3A_214 = arith.muli %sub3A_212, %mul3A_213 : i32
        %add3A_215 = arith.addi %mul3A_2, %mul3A_214 : i32
        %dma_wait3A_216 = arith.constant 1 : i32
        %dma_wait3A_217 = arith.constant 0 : i32
        %dma_wait3A_218 = arith.constant 0 : i32
        %dma_wait3A_219 = tpu.memref_slice %arg6[%dma_wait3A_216, %dma_wait3A_217, %dma_wait3A_218] : memref<4x200x64xf32, #tpu.memory_space<vmem>> -> memref<1x200x64xf32, #tpu.memory_space<vmem>>
        %dma_wait3A_220 = tpu.memref_squeeze %dma_wait3A_219 : memref<1x200x64xf32, #tpu.memory_space<vmem>> -> memref<200x64xf32, #tpu.memory_space<vmem>>
        %dma_wait3A_221 = arith.constant 0 : i32
        %dma_wait3A_222 = tpu.memref_slice %arg4[%add3A_215, %dma_wait3A_221] : memref<819200x64xf32, #tpu.memory_space<hbm>> -> memref<200x64xf32, #tpu.memory_space<hbm>>
        %dma_wait3A_223 = arith.constant 0 : i32
        %dma_wait3A_224 = tpu.memref_slice %arg4[%add3A_215, %dma_wait3A_223] : memref<819200x64xf32, #tpu.memory_space<hbm>> -> memref<200x64xf32, #tpu.memory_space<hbm>>
        %dma_wait3A_225 = arith.constant 0 : i32
        %dma_wait3A_226 = arith.constant 0 : i32
        %dma_wait3A_227 = tpu.memref_slice %arg6[%dma_wait3A_216, %dma_wait3A_225, %dma_wait3A_226] : memref<4x200x64xf32, #tpu.memory_space<vmem>> -> memref<1x200x64xf32, #tpu.memory_space<vmem>>
        %dma_wait3A_228 = tpu.memref_squeeze %dma_wait3A_227 : memref<1x200x64xf32, #tpu.memory_space<vmem>> -> memref<200x64xf32, #tpu.memory_space<vmem>>
        tpu.wait_dma2 semaphore(%arg12 : memref<!tpu.dma_semaphore, #tpu.memory_space<semaphore_mem>>) src(%dma_wait3A_228 : memref<200x64xf32, #tpu.memory_space<vmem>>) dst(%dma_wait3A_224 : memref<200x64xf32, #tpu.memory_space<hbm>>)
      } else {
      }
      %lt3A_166 = arith.constant 125 : i32
      %lt3A_167 = arith.cmpi slt, %add3A_133, %lt3A_166 : i32
      %convert_element_type3A_168 = arith.extui %lt3A_167 : i1 to i32
      %cond3A_169 = arith.constant 0 : i32
      %cond3A_170 = arith.cmpi ne, %convert_element_type3A_168, %cond3A_169 : i32
      scf.if %cond3A_170 {
        %add3A_212 = arith.constant 3 : i32
        %add3A_213 = arith.addi %add3A_133, %add3A_212 : i32
        %mul3A_214 = arith.constant 200 : i32
        %mul3A_215 = arith.muli %add3A_213, %mul3A_214 : i32
        %dma_start3A_216 = arith.constant 1 : i32
        %dma_start3A_217 = arith.constant 0 : i32
        %dma_start3A_218 = arith.constant 0 : i32
        %dma_start3A_219 = tpu.memref_slice %arg6[%dma_start3A_216, %dma_start3A_217, %dma_start3A_218] : memref<4x200x64xf32, #tpu.memory_space<vmem>> -> memref<1x200x64xf32, #tpu.memory_space<vmem>>
        %dma_start3A_220 = tpu.memref_squeeze %dma_start3A_219 : memref<1x200x64xf32, #tpu.memory_space<vmem>> -> memref<200x64xf32, #tpu.memory_space<vmem>>
        %dma_start3A_221 = tpu.memref_slice %arg5[%mul3A_215] : memref<25600xi32, #tpu.memory_space<vmem>> -> memref<200xi32, #tpu.memory_space<vmem>>
        %dma_start3A_222 = arith.constant 0 : i32
        %dma_start3A_223 = arith.constant 0 : i32
        %dma_start3A_224 = tpu.memref_slice %arg3[%dma_start3A_222, %dma_start3A_223] : memref<1000000x64xf32, #tpu.memory_space<hbm>> -> memref<1000000x64xf32, #tpu.memory_space<hbm>>
        tpu.enqueue_indirect_dma source(%dma_start3A_224 : memref<1000000x64xf32, #tpu.memory_space<hbm>>) target(%dma_start3A_220 : memref<200x64xf32, #tpu.memory_space<vmem>>) offsets(%dma_start3A_221 : memref<200xi32, #tpu.memory_space<vmem>>) semaphore(%arg8 : memref<!tpu.dma_semaphore, #tpu.memory_space<semaphore_mem>>)
      } else {
      }
      %mul3A_171 = arith.constant 4 : i32
      %mul3A_172 = arith.muli %scan3A_51, %mul3A_171 : i32
      %add3A_173 = arith.constant 3 : i32
      %add3A_174 = arith.addi %mul3A_172, %add3A_173 : i32
      %mul3A_175 = arith.constant 200 : i32
      %mul3A_176 = arith.muli %add3A_174, %mul3A_175 : i32
      %dma_wait3A_177 = arith.constant 3 : i32
      %dma_wait3A_178 = arith.constant 0 : i32
      %dma_wait3A_179 = arith.constant 0 : i32
      %dma_wait3A_180 = tpu.memref_slice %arg6[%dma_wait3A_177, %dma_wait3A_178, %dma_wait3A_179] : memref<4x200x64xf32, #tpu.memory_space<vmem>> -> memref<1x200x64xf32, #tpu.memory_space<vmem>>
      %dma_wait3A_181 = tpu.memref_squeeze %dma_wait3A_180 : memref<1x200x64xf32, #tpu.memory_space<vmem>> -> memref<200x64xf32, #tpu.memory_space<vmem>>
      %dma_wait3A_182 = tpu.memref_slice %arg5[%mul3A_176] : memref<25600xi32, #tpu.memory_space<vmem>> -> memref<200xi32, #tpu.memory_space<vmem>>
      %dma_wait3A_183 = arith.constant 0 : i32
      %dma_wait3A_184 = arith.constant 0 : i32
      %dma_wait3A_185 = tpu.memref_slice %arg3[%dma_wait3A_183, %dma_wait3A_184] : memref<1000000x64xf32, #tpu.memory_space<hbm>> -> memref<1000000x64xf32, #tpu.memory_space<hbm>>
      tpu.wait_indirect_dma semaphore(%arg10 : memref<!tpu.dma_semaphore, #tpu.memory_space<semaphore_mem>>) src(%dma_wait3A_185 : memref<1000000x64xf32, #tpu.memory_space<hbm>>) dst(%dma_wait3A_181 : memref<200x64xf32, #tpu.memory_space<vmem>>)
      %mul3A_186 = arith.constant 200 : i32
      %mul3A_187 = arith.muli %add3A_174, %mul3A_186 : i32
      %add3A_188 = arith.addi %mul3A_2, %mul3A_187 : i32
      %dma_start3A_189 = arith.constant 3 : i32
      %dma_start3A_190 = arith.constant 0 : i32
      %dma_start3A_191 = arith.constant 0 : i32
      %dma_start3A_192 = tpu.memref_slice %arg6[%dma_start3A_189, %dma_start3A_190, %dma_start3A_191] : memref<4x200x64xf32, #tpu.memory_space<vmem>> -> memref<1x200x64xf32, #tpu.memory_space<vmem>>
      %dma_start3A_193 = tpu.memref_squeeze %dma_start3A_192 : memref<1x200x64xf32, #tpu.memory_space<vmem>> -> memref<200x64xf32, #tpu.memory_space<vmem>>
      %dma_start3A_194 = arith.constant 0 : i32
      %dma_start3A_195 = tpu.memref_slice %arg4[%add3A_188, %dma_start3A_194] : memref<819200x64xf32, #tpu.memory_space<hbm>> -> memref<200x64xf32, #tpu.memory_space<hbm>>
      %dma_start3A_196 = arith.constant 0 : i32
      %dma_start3A_197 = tpu.memref_slice %arg4[%add3A_188, %dma_start3A_196] : memref<819200x64xf32, #tpu.memory_space<hbm>> -> memref<200x64xf32, #tpu.memory_space<hbm>>
      %dma_start3A_198 = arith.constant 0 : i32
      %dma_start3A_199 = arith.constant 0 : i32
      %dma_start3A_200 = tpu.memref_slice %arg6[%dma_start3A_189, %dma_start3A_198, %dma_start3A_199] : memref<4x200x64xf32, #tpu.memory_space<vmem>> -> memref<1x200x64xf32, #tpu.memory_space<vmem>>
      %dma_start3A_201 = tpu.memref_squeeze %dma_start3A_200 : memref<1x200x64xf32, #tpu.memory_space<vmem>> -> memref<200x64xf32, #tpu.memory_space<vmem>>
      tpu.enqueue_dma source(%dma_start3A_201 : memref<200x64xf32, #tpu.memory_space<vmem>>) target(%dma_start3A_197 : memref<200x64xf32, #tpu.memory_space<hbm>>) target_semaphore(%arg14 : memref<!tpu.dma_semaphore, #tpu.memory_space<semaphore_mem>>)
      %ge3A_202 = arith.constant 1 : i32
      %ge3A_203 = arith.cmpi sge, %add3A_174, %ge3A_202 : i32
      %convert_element_type3A_204 = arith.extui %ge3A_203 : i1 to i32
      %cond3A_205 = arith.constant 0 : i32
      %cond3A_206 = arith.cmpi ne, %convert_element_type3A_204, %cond3A_205 : i32
      scf.if %cond3A_206 {
        %sub3A = arith.constant 1 : i32
        %sub3A_212 = arith.subi %add3A_174, %sub3A : i32
        %mul3A_213 = arith.constant 200 : i32
        %mul3A_214 = arith.muli %sub3A_212, %mul3A_213 : i32
        %add3A_215 = arith.addi %mul3A_2, %mul3A_214 : i32
        %dma_wait3A_216 = arith.constant 2 : i32
        %dma_wait3A_217 = arith.constant 0 : i32
        %dma_wait3A_218 = arith.constant 0 : i32
        %dma_wait3A_219 = tpu.memref_slice %arg6[%dma_wait3A_216, %dma_wait3A_217, %dma_wait3A_218] : memref<4x200x64xf32, #tpu.memory_space<vmem>> -> memref<1x200x64xf32, #tpu.memory_space<vmem>>
        %dma_wait3A_220 = tpu.memref_squeeze %dma_wait3A_219 : memref<1x200x64xf32, #tpu.memory_space<vmem>> -> memref<200x64xf32, #tpu.memory_space<vmem>>
        %dma_wait3A_221 = arith.constant 0 : i32
        %dma_wait3A_222 = tpu.memref_slice %arg4[%add3A_215, %dma_wait3A_221] : memref<819200x64xf32, #tpu.memory_space<hbm>> -> memref<200x64xf32, #tpu.memory_space<hbm>>
        %dma_wait3A_223 = arith.constant 0 : i32
        %dma_wait3A_224 = tpu.memref_slice %arg4[%add3A_215, %dma_wait3A_223] : memref<819200x64xf32, #tpu.memory_space<hbm>> -> memref<200x64xf32, #tpu.memory_space<hbm>>
        %dma_wait3A_225 = arith.constant 0 : i32
        %dma_wait3A_226 = arith.constant 0 : i32
        %dma_wait3A_227 = tpu.memref_slice %arg6[%dma_wait3A_216, %dma_wait3A_225, %dma_wait3A_226] : memref<4x200x64xf32, #tpu.memory_space<vmem>> -> memref<1x200x64xf32, #tpu.memory_space<vmem>>
        %dma_wait3A_228 = tpu.memref_squeeze %dma_wait3A_227 : memref<1x200x64xf32, #tpu.memory_space<vmem>> -> memref<200x64xf32, #tpu.memory_space<vmem>>
        tpu.wait_dma2 semaphore(%arg13 : memref<!tpu.dma_semaphore, #tpu.memory_space<semaphore_mem>>) src(%dma_wait3A_228 : memref<200x64xf32, #tpu.memory_space<vmem>>) dst(%dma_wait3A_224 : memref<200x64xf32, #tpu.memory_space<hbm>>)
      } else {
      }
      %lt3A_207 = arith.constant 125 : i32
      %lt3A_208 = arith.cmpi slt, %add3A_174, %lt3A_207 : i32
      %convert_element_type3A_209 = arith.extui %lt3A_208 : i1 to i32
      %cond3A_210 = arith.constant 0 : i32
      %cond3A_211 = arith.cmpi ne, %convert_element_type3A_209, %cond3A_210 : i32
      scf.if %cond3A_211 {
        %add3A_212 = arith.constant 3 : i32
        %add3A_213 = arith.addi %add3A_174, %add3A_212 : i32
        %mul3A_214 = arith.constant 200 : i32
        %mul3A_215 = arith.muli %add3A_213, %mul3A_214 : i32
        %dma_start3A_216 = arith.constant 2 : i32
        %dma_start3A_217 = arith.constant 0 : i32
        %dma_start3A_218 = arith.constant 0 : i32
        %dma_start3A_219 = tpu.memref_slice %arg6[%dma_start3A_216, %dma_start3A_217, %dma_start3A_218] : memref<4x200x64xf32, #tpu.memory_space<vmem>> -> memref<1x200x64xf32, #tpu.memory_space<vmem>>
        %dma_start3A_220 = tpu.memref_squeeze %dma_start3A_219 : memref<1x200x64xf32, #tpu.memory_space<vmem>> -> memref<200x64xf32, #tpu.memory_space<vmem>>
        %dma_start3A_221 = tpu.memref_slice %arg5[%mul3A_215] : memref<25600xi32, #tpu.memory_space<vmem>> -> memref<200xi32, #tpu.memory_space<vmem>>
        %dma_start3A_222 = arith.constant 0 : i32
        %dma_start3A_223 = arith.constant 0 : i32
        %dma_start3A_224 = tpu.memref_slice %arg3[%dma_start3A_222, %dma_start3A_223] : memref<1000000x64xf32, #tpu.memory_space<hbm>> -> memref<1000000x64xf32, #tpu.memory_space<hbm>>
        tpu.enqueue_indirect_dma source(%dma_start3A_224 : memref<1000000x64xf32, #tpu.memory_space<hbm>>) target(%dma_start3A_220 : memref<200x64xf32, #tpu.memory_space<vmem>>) offsets(%dma_start3A_221 : memref<200xi32, #tpu.memory_space<vmem>>) semaphore(%arg9 : memref<!tpu.dma_semaphore, #tpu.memory_space<semaphore_mem>>)
      } else {
      }
    }
    %scan3A_36 = arith.constant 32 : i32
    %add3A_37 = arith.constant 25400 : i32
    %add3A_38 = arith.addi %mul3A_2, %add3A_37 : i32
    %dma_wait3A = arith.constant 3 : i32
    %dma_wait3A_39 = arith.constant 0 : i32
    %dma_wait3A_40 = arith.constant 0 : i32
    %dma_wait3A_41 = tpu.memref_slice %arg6[%dma_wait3A, %dma_wait3A_39, %dma_wait3A_40] : memref<4x200x64xf32, #tpu.memory_space<vmem>> -> memref<1x200x64xf32, #tpu.memory_space<vmem>>
    %dma_wait3A_42 = tpu.memref_squeeze %dma_wait3A_41 : memref<1x200x64xf32, #tpu.memory_space<vmem>> -> memref<200x64xf32, #tpu.memory_space<vmem>>
    %dma_wait3A_43 = arith.constant 0 : i32
    %dma_wait3A_44 = tpu.memref_slice %arg4[%add3A_38, %dma_wait3A_43] : memref<819200x64xf32, #tpu.memory_space<hbm>> -> memref<200x64xf32, #tpu.memory_space<hbm>>
    %dma_wait3A_45 = arith.constant 0 : i32
    %dma_wait3A_46 = tpu.memref_slice %arg4[%add3A_38, %dma_wait3A_45] : memref<819200x64xf32, #tpu.memory_space<hbm>> -> memref<200x64xf32, #tpu.memory_space<hbm>>
    %dma_wait3A_47 = arith.constant 0 : i32
    %dma_wait3A_48 = arith.constant 0 : i32
    %dma_wait3A_49 = tpu.memref_slice %arg6[%dma_wait3A, %dma_wait3A_47, %dma_wait3A_48] : memref<4x200x64xf32, #tpu.memory_space<vmem>> -> memref<1x200x64xf32, #tpu.memory_space<vmem>>
    %dma_wait3A_50 = tpu.memref_squeeze %dma_wait3A_49 : memref<1x200x64xf32, #tpu.memory_space<vmem>> -> memref<200x64xf32, #tpu.memory_space<vmem>>
    tpu.wait_dma2 semaphore(%arg14 : memref<!tpu.dma_semaphore, #tpu.memory_space<semaphore_mem>>) src(%dma_wait3A_50 : memref<200x64xf32, #tpu.memory_space<vmem>>) dst(%dma_wait3A_46 : memref<200x64xf32, #tpu.memory_space<hbm>>)
    return
  }
}

</mosaic_0001>

<sc_bundles>
// kernel: kernel.3.cloned.1.call-start
scs
__scs_entry_jumppad:
0x0: {  	(pc) =	sbr.rel $0x88, $3  }
0x1: {  	(tag) =	ssettag $0x0;
	lr =	simm.s32 $0x1  }
0x2: {  	[smem:$0x3F9F] =	sst lr;
	_ =	strace $0xD0000000  }
0x3: {  	_ = 	snop  }
0x4: {  	_ = 	snop  }
0x5: {  	_ = 	snop  }
0x6: {  	_ = 	snop  }
0x7: {  	_ = 	snop  }
__scs_overlays_trampoline_lowered:
0x8: {  	[smem:$0x3FAE] =	sst s0  }
0x9: {  	[smem:$0x3FAF] =	sst s1  }
0xa: {  	[smem:$0x3FB0] =	sst s2  }
0xb: {  	[smem:$0x3FB1] =	sst s3  }
0xc: {  	[smem:$0x3FB2] =	sst s4  }
0xd: {  	[smem:$0x3FB3] =	sst s5  }
0xe: {  	[smem:$0x3FB4] =	sst s6  }
0xf: {  	[smem:$0x3FB5] =	sst s7  }
0x10: {  	[smem:$0x3FB6] =	sst s8  }
0x11: {  	[smem:$0x3FB7] =	sst s9;
	s0 =	simm.s32 @!p0 $0x0  }
0x12: {  	s1 =	sld [smem:$0x3F9D];
	s0 =	simm.s32 @p0 $0x1  }
0x13: {  	[smem:$0x3FB8] =	sst s0;
	s0 =	simm.s32 @!p1 $0x0  }
0x14: {  	s2 =	sld [smem:$0x3F9C];
	s0 =	simm.s32 @p1 $0x1  }
0x15: {  	[smem:$0x3FB9] =	sst s0;
	s0 =	simm.s32 @!p2 $0x0  }
0x16: {  	s3 =	sld [smem:$0x3FDB];
	s0 =	simm.s32 @p2 $0x1  }
0x17: {  	s4 =	simm.s32 $0x1BF5;
	[smem:$0x3FBB] =	sst s0  }
0x18: {  	s0 =	sld [smem:$0x3F9E];
	_ =	swait.ge [sflag:s4], $0x0  }
0x19: {  	s7 =	sld [smem:$0x3F9F]  }
0x1a: {  	s8 =	sadd.s32 $0xFFFFE003, lr  }
0x1b: {  	s9 =	sadd.s32 $0xFFFFFEF7, lr;
	s5 =	simm.s32 $0xFFFFFFFF;
	p2 =	slt.u32 s8, $0xFFFFF086  }
0x1c: {  	p1 =	slt.u32 s9, $0xF7A;
	s5 =	simm.s32 @!p2 $0x0  }
0x1d: {  	s5 =	simm.s32 @p1 $0x1;
	p0 =	seq.s32 s7, s2  }
0x1e: {  	s7 =	smul.u32 @!p0 $0xF7A, s2;
	p2 =	seq.s32 @!p0 s5, $0x0  }
0x1f: {  	s9 =	smul.u32 $0xF7A, s1;
	s8 =	simm.s32 @!p0 $0x1BF5;
	p2 =	por !p2, p0  }
0x20: {  	[sflag:s8] =	ssyncset.s32 @!p0 $0xFFFFF086;
	s6 =	sadd.s32 @!p0 s3, s7;
	s7 =	simm.s32 @!p0 $0x108  }
0x21: {  	s3 =	sadd.s32 s3, s9;
	s6 =	sadd.s32 @!p0 $0x88, s6;
	s7 =	simm.s32 @p2 $0x1082  }
0x22: {  	[simem:s7], [sflag:s8] =	dma.local @!p0 [hbm:s6], $0xF7A  }
0x23: {  	s9 =	sor.u32 $0xD0000000, s2;
	s6 =	simm.s32 $0x108;
	_ =	swait.ge @!p0 [sflag:s8], $0x0  }
0x24: {  	s3 =	sadd.s32 $0x88, s3;
	s6 =	simm.s32 @!p1 $0x1082;
	[sflag:s4] =	ssyncset.s32 $0xFFFFF086  }
0x25: {  	[simem:s6], [sflag:s4] =	dma.local [hbm:s3], $0xF7A  }
0x26: {  	[smem:$0x3F9F] =	sst s1;
	(tag) =	ssettag s2;
	_ =	strace s9  }
0x27: {  	s1 =	sld [smem:$0x3FAF]  }
0x28: {  	s2 =	sld [smem:$0x3FB0]  }
0x29: {  	s4 =	sld [smem:$0x3FB2]  }
0x2a: {  	p0 =	seq.s32 s5, $0x0;
	s5 =	sld [smem:$0x3FB3]  }
0x2b: {  	s6 =	sld [smem:$0x3FB4]  }
0x2c: {  	s7 =	sld [smem:$0x3FB5]  }
0x2d: {  	s3 =	simm.s32 $0x108;
	s8 =	sld [smem:$0x3FB6]  }
0x2e: {  	s3 =	simm.s32 @!p0 $0x1082;
	s9 =	sld [smem:$0x3FB7]  }
0x2f: {  	lr =	sadd.s32 s0, s3;
	s0 =	sld [smem:$0x3FAE]  }
0x30: {  	s3 =	sld [smem:$0x3FB1]  }
0x31: {  	[smem:$0x3FBA] =	sst s10  }
0x32: {  	s10 =	sld [smem:$0x3FB8];
	_ =	sdelay $0x3  }
0x33: {  	p0 =	seq.s32 s10, $0x1;
	s10 =	sld [smem:$0x3FBA];
	_ =	sdelay $0x3  }
0x34: {  	[smem:$0x3FBA] =	sst s10  }
0x35: {  	s10 =	sld [smem:$0x3FB9];
	_ =	sdelay $0x3  }
0x36: {  	p1 =	seq.s32 s10, $0x1;
	s10 =	sld [smem:$0x3FBA];
	_ =	sdelay $0x3  }
0x37: {  	[smem:$0x3FBA] =	sst s10  }
0x38: {  	s10 =	sld [smem:$0x3FBB]  }
0x39: {  	_ = 	snop;
	(pc) =	sbr.ind lr, $3  }
0x3a: {  	_ = 	snop  }
0x3b: {  	_ = 	snop  }
0x3c: {  	p2 =	seq.s32 s10, $0x1;
	s10 =	sld [smem:$0x3FBA]  }
0x3d: {  	_ =	shalt  }
0x3e: {  	_ =	shalt  }
0x3f: {  	_ =	shalt  }
0x40: {  	_ =	shalt  }
0x41: {  	_ =	shalt  }
0x42: {  	_ =	shalt  }
0x43: {  	_ =	shalt  }
0x44: {  	_ =	shalt  }
0x45: {  	_ =	shalt  }
0x46: {  	_ =	shalt  }
0x47: {  	_ =	shalt  }
0x48: {  	_ =	shalt  }
0x49: {  	_ =	shalt  }
0x4a: {  	_ =	shalt  }
0x4b: {  	_ =	shalt  }
0x4c: {  	_ =	shalt  }
0x4d: {  	_ =	shalt  }
0x4e: {  	_ =	shalt  }
0x4f: {  	_ =	shalt  }
0x50: {  	_ =	shalt  }
0x51: {  	_ =	shalt  }
0x52: {  	_ =	shalt  }
0x53: {  	_ =	shalt  }
0x54: {  	_ =	shalt  }
0x55: {  	_ =	shalt  }
0x56: {  	_ =	shalt  }
0x57: {  	_ =	shalt  }
0x58: {  	_ =	shalt  }
0x59: {  	_ =	shalt  }
0x5a: {  	_ =	shalt  }
0x5b: {  	_ =	shalt  }
0x5c: {  	_ =	shalt  }
0x5d: {  	_ =	shalt  }
0x5e: {  	_ =	shalt  }
0x5f: {  	_ =	shalt  }
0x60: {  	_ =	shalt  }
0x61: {  	_ =	shalt  }
0x62: {  	_ =	shalt  }
0x63: {  	_ =	shalt  }
0x64: {  	_ =	shalt  }
0x65: {  	_ =	shalt  }
0x66: {  	_ =	shalt  }
0x67: {  	_ =	shalt  }
0x68: {  	_ =	shalt  }
0x69: {  	_ =	shalt  }
0x6a: {  	_ =	shalt  }
0x6b: {  	_ =	shalt  }
0x6c: {  	_ =	shalt  }
0x6d: {  	_ =	shalt  }
0x6e: {  	_ =	shalt  }
0x6f: {  	_ =	shalt  }
0x70: {  	_ =	shalt  }
0x71: {  	_ =	shalt  }
0x72: {  	_ =	shalt  }
0x73: {  	_ =	shalt  }
0x74: {  	_ =	shalt  }
0x75: {  	_ =	shalt  }
0x76: {  	_ =	shalt  }
0x77: {  	_ =	shalt  }
0x78: {  	_ =	shalt  }
0x79: {  	_ =	shalt  }
0x7a: {  	_ =	shalt  }
0x7b: {  	_ =	shalt  }
0x7c: {  	_ =	shalt  }
0x7d: {  	_ =	shalt  }
0x7e: {  	_ =	shalt  }
0x7f: {  	_ =	shalt  }
0x80: {  	_ =	shalt  }
0x81: {  	_ =	shalt  }
0x82: {  	_ =	shalt  }
0x83: {  	_ =	shalt  }
0x84: {  	_ =	shalt  }
0x85: {  	_ =	shalt  }
0x86: {  	_ =	shalt  }
0x87: {  	_ =	shalt  }
.Lfunc_end0:
.L_simem_size_0:
called_computation.1_lowered:
.L_overlay_start_0:
0x88: {  	s2 =	sld [smem:$0x3FD9]  }
0x89: {  	s3 =	sld [smem:$0x3FFE];
	_ =	sdelay $0x1  }
0x8a: {  	s1 =	srdreg.scid  }
0x8b: {  	s0 =	sand.u32 $0x1, s1  }
0x8c: {  	s17 =	sshll.u32 s0, $0xA;
	s2 =	sadd.s32 s3, s2  }
0x8d: {  	s2 =	sadd.s32 s2, s17  }
0x8e: {  	[smem:$0x3FC6] =	sst s2  }
0x8f: {  	_ = 	snop  }
0x90: {  	s2 =	sld [smem:$0x3FD0];
	(tm) =	ssettm $0x1  }
0x91: {  	s18 =	sld [smem:$0x3FFB];
	_ =	sdelay $0x3  }
0x92: {  	_ =	strace s18  }
0x93: {  	s3 =	sld [smem:$0x3FFC];
	_ =	sdelay $0x3  }
0x94: {  	_ =	strace s3  }
0x95: {  	s3 =	sld [smem:$0x3FFD];
	_ =	sdelay $0x3  }
0x96: {  	_ =	strace s3  }
0x97: {  	_ =	strace $0x8FFFFFFF  }
0x98: {  	s19 =	sld [smem:$0x3FDB];
	_ =	sdelay $0x1  }
0x99: {  	s4 =	simm.s32 $_scs_section_size  }
0x9a: {  	s5 =	simm.s32 $_size__tile_overlayer_lowered;
	s6 =	simm.s32 $_tile_overlayer_lowered  }
0x9b: {  	s22 =	simm.s32 $0x1BFF;
	s21 =	sshll.u32 s6, $0x1;
	s3 =	sadd.s32 s4, s19  }
0x9c: {  	s7 =	simm.s32 $0x0;
	s20 =	sshll.u32 s5, $0x1;
	s5 =	sadd.s32 s21, s3  }
0x9d: {  	[timem:s7], [sflag:s22] =	dma.local [hbm:s5], s20  }
0x9e: {  	_ =	swait.ge [sflag:s22], s20  }
0x9f: {  	s4 =	ssub.s32 $0x0, s20;
	[sflag:s22] =	ssyncset.done $0x0  }
0xa0: {  	[sflag:s22] =	ssyncadd.s32 s4;
	_ =	sdelay $0x1  }
0xa1: {  	s23 =	simm.s32 $0x1B8B  }
0xa2: {  	_ =	swait.ge [sflag:s23], $0x1  }
0xa3: {  	[sflag:s23] =	ssyncset.done $0x0  }
0xa4: {  	s25 =	simm.s32 $0x1B8E;
	s24 =	sld [smem:$0x3FFE];
	[sflag:s23] =	ssyncadd.s32 $0xFFFFFFFF  }
0xa5: {  	s26 =	simm.s32 $execute0_lowered;
	[smem:$0x3FD2] =	sst s25  }
0xa6: {  	s5 =	sshll.u32 s26, $0x1;
	_ =	strace $0x80000046;
	[dreg:$0x1] =	wrdreg $0xFFFFFFFF  }
0xa7: {  	s28 =	simm.s32 $_size_execute0_lowered;
	s3 =	sadd.s32 s3, s5;
	[dreg:$0x0] =	wrdreg $0x0  }
0xa8: {  	s5 =	sshll.u32 s28, $0x1;
	[dreg:$0x2] =	wrdreg s3  }
0xa9: {  	[dreg:$0x3] =	wrdreg s5  }
0xaa: {  	[dreg:$0x4] =	wrdreg $0xC0  }
0xab: {  	_ =	task [dreg:s7], $0x5FFFF  }
0xac: {  	[dreg:$0x1] =	wrdreg $0xFFFFFFFF  }
0xad: {  	[dreg:$0x0] =	wrdreg $0x60  }
0xae: {  	[dreg:$0x2] =	wrdreg s24  }
0xaf: {  	[dreg:$0x3] =	wrdreg s2  }
0xb0: {  	[dreg:$0x4] =	wrdreg $0x9  }
0xb1: {  	_ =	task.clear_ibuf [dreg:s7], $0x5FFFF;
	_ =	strace $0x90000046  }
0xb2: {  	s29 =	simm.s32 $0x9;
	_ =	strace $0x80000048  }
0xb3: {  	_ =	swait.ge [sflag:s29], $0x1  }
0xb4: {  	[sflag:s29] =	ssyncadd.s32 $0xFFFFFFFF  }
0xb5: {  	_ =	strace $0x90000048  }
0xb6: {  	_ =	sfence  }
0xb7: {  	s30 =	sld [smem:$0x0];
	_ =	sdelay $0x2  }
0xb8: {  	s31 =	sshll.u32 s1, $0xD;
	s1 =	sshrl.u32 s1, $0x2  }
0xb9: {  	s3 =	sand.u32 $0x4000, s31;
	s1 =	sadd.s32 s1, s30  }
0xba: {  	s0 =	sor.u32 s3, s0;
	s1 =	sshll.u32 s1, $0x11  }
0xbb: {  	s0 =	sor.u32 s1, s0  }
0xbc: {  	s0 =	sadd.s32 $0x8F2B, s0  }
0xbd: {  	[sflag:s0] =	ssyncadd.remote.s32 $0x1  }
0xbe: {  	_ =	sfence.sel $0xFFFF  }
0xbf: {  	[dreg:$0x0] =	wrdreg $0xFFFFFFFF;
	(pc) =	sbr.abs _section_cstart, $3  }
0xc0: {  	[dreg:$0x1] =	wrdreg $0xFFFFFFFF  }
0xc1: {  	_ =	task.clear_ibuf [dreg:s7], $0x2FFFF;
	_ =	strace $0x9FFFFFFF  }
0xc2: {  	(tm) =	ssettm $0x7FFFFFFF  }
0xc3: {  	_ =	shalt  }
tec
execute0_lowered:
.L_overlay_start_1:
0x0: {  	(tag) =	ssettag $0x1  }
0x1: {  	s0 =	srdreg.scid;
	s1 =	rddreg [dreg:$0x0]  }
0x2: {  	s9 =	stileid.u32;
	s4 =	rddreg [dreg:$0x1]  }
0x3: {  	s11 =	simm.s32 $0xC8;
	s12 =	simm.s32 $0x6400;
	s13 =	simm.s32 $0x9600  }
0x4: {  	s15 =	simm.s32 $0xC800;
	s16 =	simm.s32 $0x1;
	s17 =	simm.s32 $0xFA00  }
0x5: {  	s18 =	simm.s32 $0x2;
	s19 =	simm.s32 $0x5;
	s20 =	simm.s32 $0x3  }
0x6: {  	s21 =	simm.s32 $0x6;
	s22 =	simm.s32 $0x4;
	s5 =	smul.u32 $0xC800, s9  }
0x7: {  	s0 =	sand.u32 $0x1, s0;
	s2 =	sshll.u32 s9, $0x1;
	s9 =	smul.u32 $0x64000, s9  }
0x8: {  	s23 =	simm.s32 $0x7;
	s3 =	sor.u32 s0, s2;
	s6 =	smul.u32 $0x6400, s0  }
0x9: {  	s2 =	simm.s32 $0x0;
	s29 =	ssub.s32 $0x2, s0;
	s0 =	smul.u32 $0x32000, s0  }
0xa: {  	s25 =	simm.s32 $0x0;
	s3 =	smul.u32 $0x6400, s3;
	[smem:$0x7FF] =	sst s2  }
0xb: {  	s8 =	sshrl.u32 s29, $0x1;
	s31 =	sadd.s32 s9, s4;
	s5 =	sadd.s32 s6, s5  }
0xc: {  	_ =	strace $0x80000047;
	s3 =	sshrl.u32 s3, $0x3;
	s5 =	sshll.u32 s5, $0x3  }
0xd: {  	s7 =	sadd.s32 s3, s1;
	s3 =	sadd.s32 $0xF42E00, s1;
	s1 =	ssub.s32 s29, s8  }
0xe: {  	s4 =	sadd.s32 s5, s4;
	s30 =	sadd.s32 $0xA00, s7;
	s1 =	smax.u32 s1, $0x1  }
0xf: {  	s7 =	sadd.s32 $0x12C0, s4;
	s8 =	sadd.s32 $0xC80, s4;
	[dreg:$0x3] =	wrdreg s30  }
0x10: {  	s9 =	sadd.s32 $0x640, s4;
	[dreg:$0x4] =	wrdreg s1;
	s1 =	sadd.s32 s0, s31  }
.LBB2_1:
0x11: {  	s0 =	rddreg [dreg:$0x3];
	s24 =	simm.s32 $0x9  }
0x12: {  	[tilespmem:s2], [sflag:$0x9] =	stream.linear.gather [hbm4b:s0+s2], $0x6400, $0x38;
	[tilespmem:$0x12C00] =	vst v63  }
0x13: {  	_ =	swait.ge [sflag:s24], $0x6400  }
0x14: {  	[sflag:s24] =	ssyncset.done $0x0  }
0x15: {  	[sflag:s24] =	ssyncadd.s32 $0xFFFF9C00  }
0x16: {  	[tilespmem:s12], [sflag:$0x1] =	stream.indirect.gather [hbm4b:s3+s11], $0x40, s2, s11, $0xb8;
	[tilespmem:$0x12C00] =	vst v63  }
0x17: {  	_ = 	snop  }
0x18: {  	[tilespmem:s13], [sflag:$0x2] =	stream.indirect.gather [hbm4b:s3+s11], $0x40, s11, s11, $0xb8;
	[tilespmem:$0x12C00] =	vst v63  }
0x19: {  	s26 =	simm.s32 $0x190  }
0x1a: {  	[tilespmem:s15], [sflag:$0x3] =	stream.indirect.gather [hbm4b:s3+s11], $0x40, s26, s11, $0xb8;
	[tilespmem:$0x12C00] =	vst v63  }
0x1b: {  	_ =	swait.ge [sflag:s16], $0x3200  }
0x1c: {  	p0 =	por $0x1, $0x1;
	[sflag:s16] =	ssyncset.done $0x0  }
0x1d: {  	s0 =	simm.s32 @!p0 $0x8;
	[sflag:s16] =	ssyncadd.s32 $0xFFFFCE00  }
0x1e: {  	[hbm4b:s1+s2] =	stream.linear.scatter [tilespmem:s12], [sflag:$0x5], $0x3200, $0x38;
	[tilespmem:$0x12C00] =	vst v63  }
0x1f: {  	_ =	swait.ge @!p0 [sflag:s0], $0x3200  }
0x20: {  	[sflag:s0] =	ssyncset.done @!p0 $0x0  }
0x21: {  	s4 =	simm.s32 $0x258;
	[sflag:s0] =	ssyncadd.s32 @!p0 $0xFFFFCE00  }
0x22: {  	[tilespmem:s17], [sflag:$0x4] =	stream.indirect.gather [hbm4b:s3+s11], $0x40, s4, s11, $0xb8;
	[tilespmem:$0x12C00] =	vst v63  }
0x23: {  	_ =	swait.ge [sflag:s18], $0x3200  }
0x24: {  	[sflag:s18] =	ssyncset.done $0x0  }
0x25: {  	[sflag:s18] =	ssyncadd.s32 $0xFFFFCE00  }
0x26: {  	[hbm4b:s9+s2] =	stream.linear.scatter [tilespmem:s13], [sflag:$0x6], $0x3200, $0x38;
	[tilespmem:$0x12C00] =	vst v63  }
0x27: {  	p0 =	por $0x0, $0x0;
	_ =	swait.ge [sflag:s19], $0x3200  }
0x28: {  	s0 =	simm.s32 @!p0 $0x6400;
	[sflag:s19] =	ssyncset.done $0x0  }
0x29: {  	s4 =	simm.s32 @!p0 $0x320;
	s5 =	simm.s32 @!p0 $0xC8;
	[sflag:s19] =	ssyncadd.s32 $0xFFFFCE00  }
0x2a: {  	[tilespmem:s0], [sflag:$0x1] =	stream.indirect.gather @!p0 [hbm4b:s3+s5], $0x40, s4, s5, $0xb8;
	[tilespmem:$0x12C00] =	vst v63  }
0x2b: {  	_ =	swait.ge [sflag:s20], $0x3200  }
0x2c: {  	[sflag:s20] =	ssyncset.done $0x0  }
0x2d: {  	[sflag:s20] =	ssyncadd.s32 $0xFFFFCE00  }
0x2e: {  	[hbm4b:s8+s2] =	stream.linear.scatter [tilespmem:s15], [sflag:$0x7], $0x3200, $0x38;
	[tilespmem:$0x12C00] =	vst v63  }
0x2f: {  	p0 =	por $0x0, $0x0;
	_ =	swait.ge [sflag:s21], $0x3200  }
0x30: {  	s0 =	simm.s32 @!p0 $0x9600;
	[sflag:s21] =	ssyncset.done $0x0  }
0x31: {  	s4 =	simm.s32 @!p0 $0x3E8;
	s5 =	simm.s32 @!p0 $0xC8;
	[sflag:s21] =	ssyncadd.s32 $0xFFFFCE00  }
0x32: {  	[tilespmem:s0], [sflag:$0x2] =	stream.indirect.gather @!p0 [hbm4b:s3+s5], $0x40, s4, s5, $0xb8;
	[tilespmem:$0x12C00] =	vst v63  }
0x33: {  	s28 =	sadd.s32 $0x1900, s8;
	s29 =	sadd.s32 $0x1900, s9;
	_ =	swait.ge [sflag:s22], $0x3200  }
0x34: {  	s30 =	simm.s32 $0x7;
	p1 =	por $0x0, $0x0;
	[sflag:s22] =	ssyncset.done $0x0  }
0x35: {  	s31 =	sadd.s32 $0x1900, s7;
	s6 =	smov.u32 s1;
	[sflag:s22] =	ssyncadd.s32 $0xFFFFCE00  }
0x36: {  	[hbm4b:s7+s2] =	stream.linear.scatter [tilespmem:s17], [sflag:$0x8], $0x3200, $0x38;
	[tilespmem:$0x12C00] =	vst v63  }
0x37: {  	s10 =	simm.s32 @!p1 $0x4B0;
	s24 =	simm.s32 @!p1 $0xC8;
	_ =	swait.ge [sflag:s23], $0x3200  }
0x38: {  	s26 =	simm.s32 $0xC80;
	s5 =	simm.s32 @!p1 $0xC800;
	[sflag:s23] =	ssyncset.done $0x0  }
.LBB2_2:
0x39: {  	[sflag:s23] =	ssyncadd.s32 $0xFFFFCE00;
	s6 =	sadd.s32 $0x1900, s6;
	s0 =	smov.u32 s26  }
0x3a: {  	s26 =	sadd.s32 $0xC80, s26;
	s4 =	smov.u32 s30;
	s14 =	smov.u32 s31  }
0x3b: {  	[tilespmem:s5], [sflag:$0x3] =	stream.indirect.gather @!p1 [hbm4b:s3+s24], $0x40, s10, s24, $0xb8;
	[tilespmem:$0x12C00] =	vst v63  }
0x3c: {  	p0 =	sne.s32 s26, $0x19000;
	_ =	swait.ge [sflag:s16], $0x3200  }
0x3d: {  	p1 =	seq.s32 s0, $0x0;
	[sflag:s16] =	ssyncset.done $0x0  }
0x3e: {  	s5 =	simm.s32 @!p1 $0x8;
	[sflag:s16] =	ssyncadd.s32 $0xFFFFCE00  }
0x3f: {  	[hbm4b:s6+s2] =	stream.linear.scatter [tilespmem:s12], [sflag:$0x5], $0x3200, $0x38;
	[tilespmem:$0x12C00] =	vst v63  }
0x40: {  	s10 =	sshra.s32 s0, $0x2;
	_ =	swait.ge @!p1 [sflag:s5], $0x3200  }
0x41: {  	s10 =	sadd.s32 $0x258, s10;
	[sflag:s5] =	ssyncset.done @!p1 $0x0  }
0x42: {  	[sflag:s5] =	ssyncadd.s32 @!p1 $0xFFFFCE00  }
0x43: {  	[tilespmem:s17], [sflag:$0x4] =	stream.indirect.gather [hbm4b:s3+s11], $0x40, s10, s11, $0xb8;
	[tilespmem:$0x12C00] =	vst v63  }
0x44: {  	_ =	swait.ge [sflag:s18], $0x3200  }
0x45: {  	[sflag:s18] =	ssyncset.done $0x0  }
0x46: {  	s5 =	sadd.s32 $0xFFFFFFFE, s30;
	[sflag:s18] =	ssyncadd.s32 $0xFFFFCE00  }
0x47: {  	[hbm4b:s29+s2] =	stream.linear.scatter [tilespmem:s13], [sflag:$0x6], $0x3200, $0x38;
	[tilespmem:$0x12C00] =	vst v63  }
0x48: {  	p1 =	sgt.u32 s5, $0x7C;
	_ =	swait.ge [sflag:s19], $0x3200  }
0x49: {  	s5 =	sshra.s32 @!p1 s0, $0x2;
	s10 =	simm.s32 @!p1 $0x6400;
	[sflag:s19] =	ssyncset.done $0x0  }
0x4a: {  	s24 =	simm.s32 @!p1 $0xC8;
	s5 =	sadd.s32 @!p1 $0x320, s5;
	[sflag:s19] =	ssyncadd.s32 $0xFFFFCE00  }
0x4b: {  	[tilespmem:s10], [sflag:$0x1] =	stream.indirect.gather @!p1 [hbm4b:s3+s24], $0x40, s5, s24, $0xb8;
	[tilespmem:$0x12C00] =	vst v63  }
0x4c: {  	_ =	swait.ge [sflag:s20], $0x3200  }
0x4d: {  	[sflag:s20] =	ssyncset.done $0x0  }
0x4e: {  	s5 =	sadd.s32 $0xFFFFFFFF, s30;
	[sflag:s20] =	ssyncadd.s32 $0xFFFFCE00  }
0x4f: {  	[hbm4b:s28+s2] =	stream.linear.scatter [tilespmem:s15], [sflag:$0x7], $0x3200, $0x38;
	[tilespmem:$0x12C00] =	vst v63  }
0x50: {  	p1 =	sgt.u32 s5, $0x7C;
	_ =	swait.ge [sflag:s21], $0x3200  }
0x51: {  	s5 =	sshra.s32 @!p1 s0, $0x2;
	s10 =	simm.s32 @!p1 $0x9600;
	[sflag:s21] =	ssyncset.done $0x0  }
0x52: {  	s24 =	simm.s32 @!p1 $0xC8;
	s5 =	sadd.s32 @!p1 $0x3E8, s5;
	[sflag:s21] =	ssyncadd.s32 $0xFFFFCE00  }
0x53: {  	[tilespmem:s10], [sflag:$0x2] =	stream.indirect.gather @!p1 [hbm4b:s3+s24], $0x40, s5, s24, $0xb8;
	[tilespmem:$0x12C00] =	vst v63  }
0x54: {  	s29 =	sadd.s32 $0x1900, s29;
	s28 =	sadd.s32 $0x1900, s28;
	_ =	swait.ge [sflag:s22], $0x3200  }
.Ltmp0:
0x55: {  	s30 =	sadd.s32 $0x4, s30;
	[sflag:s22] =	ssyncset.done $0x0;
	(pc) =	sbr.rel @p0 .LBB2_2-.Ltmp0, $4  }
0x56: {  	s31 =	sadd.s32 $0x1900, s31;
	p1 =	sgt.u32 s4, $0x7C;
	[sflag:s22] =	ssyncadd.s32 $0xFFFFCE00  }
0x57: {  	[hbm4b:s14+s2] =	stream.linear.scatter [tilespmem:s17], [sflag:$0x8], $0x3200, $0x38;
	[tilespmem:$0x12C00] =	vst v63  }
0x58: {  	s0 =	sshra.s32 @!p1 s0, $0x2;
	s5 =	simm.s32 @!p1 $0xC800;
	_ =	swait.ge [sflag:s23], $0x3200  }
0x59: {  	s24 =	simm.s32 @!p1 $0xC8;
	s10 =	sadd.s32 @!p1 $0x4B0, s0;
	[sflag:s23] =	ssyncset.done $0x0  }
0x5a: {  	[sflag:s23] =	ssyncadd.s32 $0xFFFFCE00;
	s4 =	simm.s32 $0x8  }
0x5b: {  	[tilespmem:s5], [sflag:$0x3] =	stream.indirect.gather @!p1 [hbm4b:s3+s24], $0x40, s10, s24, $0xb8;
	[tilespmem:$0x12C00] =	vst v63  }
0x5c: {  	_ =	swait.ge [sflag:s4], $0x3200  }
0x5d: {  	s25 =	sadd.s32 $0x1, s25;
	s0 =	rddreg [dreg:$0x4]  }
0x5e: {  	p0 =	sne.s32 s25, s0  }
.Ltmp1:
0x5f: {  	_ = 	snop;
	(pc) =	sbr.rel @p0 .LBB2_1-.Ltmp1, $3  }
0x60: {  	_ =	sdelay $0x1  }
0x61: {  	[sflag:s4] =	ssyncset.done $0x0  }
0x62: {  	[sflag:s4] =	ssyncadd.s32 $0xFFFFCE00  }
0x63: {  	_ =	sfence.sel $0x180000  }
0x64: {  	[bflag:$0x0] =	sbarrier.arrive $0xFFFF  }
0x65: {  	_ =	strace $0x90000047  }
0x66: {  	s0 =	stileid.u32;
	[bflag:$0x2] =	sbarrier.arrive $0xFFFF  }
0x67: {  	p0 =	sne.s32 s0, $0x0;
	s0 =	rddreg [dreg:$0x2]  }
0x68: {  	s0 =	sadd.s32 @!p0 $0x100000, s0  }
0x69: {  	[sflag:s0] =	ssyncadd.tile.s32 @!p0 $0x1;
	_ =	shalt  }
.Lfunc_end2:
_tile_overlayer_lowered:
.L_overlay_start_2:
0x6a: {  	(tag) =	ssettag $0x2  }
0x6b: {  	s0 =	rddreg [dreg:$0x0];
	s2 =	stileid.u32  }
0x6c: {  	s1 =	rddreg [dreg:$0x1];
	p0 =	sne.s32 s2, $0x0  }
0x6d: {  	s3 =	rddreg [dreg:$0x2];
	[bflag:$0x3] =	sbarrier.arrive $0xFFFF;
	s2 =	simm.s32 @!p0 $0x1C09  }
0x6e: {  	[timem:s3], [sflag:s2] =	dma.local @!p0 [hbm:s0], s1  }
0x6f: {  	s0 =	simm.s32 @!p0 $0x9  }
0x70: {  	_ =	swait.ge @!p0 [sflag:s0], s1  }
0x71: {  	s1 =	ssub.s32 @!p0 $0x0, s1;
	[sflag:s0] =	ssyncset.done @!p0 $0x0  }
0x72: {  	[sflag:s0] =	ssyncadd.s32 @!p0 s1  }
0x73: {  	[bflag:$0x3] =	sbarrier.arrive $0xFFFF  }
0x74: {  	_ =	shalt  }

// kernel: sparse-core-data-format-call.cloned.1.call-start
scs
called_computation_lowered:
.L_overlay_start_0:
0x0: {  	s2 =	sld [smem:$0x3FD9]  }
0x1: {  	s3 =	sld [smem:$0x3FFE];
	_ =	sdelay $0x1  }
0x2: {  	s1 =	srdreg.scid  }
0x3: {  	s0 =	sand.u32 $0x1, s1  }
0x4: {  	s18 =	sshll.u32 s0, $0xA;
	s2 =	sadd.s32 s3, s2  }
0x5: {  	s2 =	sadd.s32 s2, s18  }
0x6: {  	[smem:$0x3FC6] =	sst s2  }
0x7: {  	_ = 	snop  }
0x8: {  	s2 =	sld [smem:$0x3FD0];
	(tm) =	ssettm $0x1  }
0x9: {  	s19 =	sld [smem:$0x3FFB];
	_ =	sdelay $0x3  }
0xa: {  	_ =	strace s19  }
0xb: {  	s3 =	sld [smem:$0x3FFC];
	_ =	sdelay $0x3  }
0xc: {  	_ =	strace s3  }
0xd: {  	s3 =	sld [smem:$0x3FFD];
	_ =	sdelay $0x3  }
0xe: {  	_ =	strace s3  }
0xf: {  	_ =	strace $0x8FFFFFFF  }
0x10: {  	s20 =	sld [smem:$0x3FDB];
	_ =	sdelay $0x1  }
0x11: {  	s4 =	simm.s32 $_scs_section_size  }
0x12: {  	s5 =	simm.s32 $_size__tile_overlayer_lowered;
	s6 =	simm.s32 $_tile_overlayer_lowered  }
0x13: {  	s23 =	simm.s32 $0x1BFF;
	s22 =	sshll.u32 s6, $0x1;
	s3 =	sadd.s32 s4, s20  }
0x14: {  	s7 =	simm.s32 $0x0;
	s21 =	sshll.u32 s5, $0x1;
	s5 =	sadd.s32 s22, s3  }
0x15: {  	[timem:s7], [sflag:s23] =	dma.local [hbm:s5], s21  }
0x16: {  	_ =	swait.ge [sflag:s23], s21  }
0x17: {  	s4 =	ssub.s32 $0x0, s21;
	[sflag:s23] =	ssyncset.done $0x0  }
0x18: {  	[sflag:s23] =	ssyncadd.s32 s4;
	_ =	sdelay $0x1  }
0x19: {  	s24 =	simm.s32 $0x1B8B  }
0x1a: {  	_ =	swait.ge [sflag:s24], $0x1  }
0x1b: {  	[sflag:s24] =	ssyncset.done $0x0  }
0x1c: {  	s26 =	simm.s32 $0x1B8E;
	s25 =	sld [smem:$0x3FFE];
	[sflag:s24] =	ssyncadd.s32 $0xFFFFFFFF  }
0x1d: {  	s27 =	simm.s32 $execute0_lowered;
	[smem:$0x3FD2] =	sst s26  }
0x1e: {  	s5 =	sshll.u32 s27, $0x1;
	_ =	strace $0x80000049;
	[dreg:$0x1] =	wrdreg $0xFFFFFFFF  }
0x1f: {  	s28 =	simm.s32 $_size_execute0_lowered;
	s3 =	sadd.s32 s3, s5;
	[dreg:$0x0] =	wrdreg $0x0  }
0x20: {  	s5 =	sshll.u32 s28, $0x1;
	[dreg:$0x2] =	wrdreg s3  }
0x21: {  	[dreg:$0x3] =	wrdreg s5  }
0x22: {  	[dreg:$0x4] =	wrdreg $0xC0  }
0x23: {  	_ =	task [dreg:s7], $0x5FFFF  }
0x24: {  	[dreg:$0x1] =	wrdreg $0xFFFFFFFF  }
0x25: {  	[dreg:$0x0] =	wrdreg $0x60  }
0x26: {  	[dreg:$0x2] =	wrdreg s25  }
0x27: {  	[dreg:$0x3] =	wrdreg s2  }
0x28: {  	[dreg:$0x4] =	wrdreg $0x9  }
0x29: {  	_ =	task.clear_ibuf [dreg:s7], $0x5FFFF;
	_ =	strace $0x90000049  }
0x2a: {  	s29 =	simm.s32 $0x9;
	_ =	strace $0x8000004B  }
0x2b: {  	_ =	swait.ge [sflag:s29], $0x1  }
0x2c: {  	[sflag:s29] =	ssyncadd.s32 $0xFFFFFFFF  }
0x2d: {  	_ =	strace $0x9000004B  }
0x2e: {  	_ =	sfence  }
0x2f: {  	s30 =	sld [smem:$0x0];
	_ =	sdelay $0x2  }
0x30: {  	s31 =	sshll.u32 s1, $0xD;
	s1 =	sshrl.u32 s1, $0x2  }
0x31: {  	s3 =	sand.u32 $0x4000, s31;
	s1 =	sadd.s32 s1, s30  }
0x32: {  	s0 =	sor.u32 s3, s0;
	s1 =	sshll.u32 s1, $0x11  }
0x33: {  	s0 =	sor.u32 s1, s0  }
0x34: {  	s0 =	sadd.s32 $0x8F2B, s0  }
0x35: {  	[sflag:s0] =	ssyncadd.remote.s32 $0x1  }
0x36: {  	_ =	sfence.sel $0xFFFF  }
0x37: {  	[dreg:$0x0] =	wrdreg $0xFFFFFFFF;
	(pc) =	sbr.abs _section_cstart, $3  }
0x38: {  	[dreg:$0x1] =	wrdreg $0xFFFFFFFF  }
0x39: {  	_ =	task.clear_ibuf [dreg:s7], $0x2FFFF;
	_ =	strace $0x9FFFFFFF  }
0x3a: {  	(tm) =	ssettm $0x7FFFFFFF  }
0x3b: {  	_ =	shalt  }
tec
execute0_lowered:
.L_overlay_start_1:
0x0: {  	(tag) =	ssettag $0x1  }
0x1: {  	s0 =	srdreg.scid  }
0x2: {  	s1 =	sshll.u32 s0, $0x4  }
0x3: {  	s0 =	stileid.u32;
	s1 =	sand.u32 $0x10, s1  }
0x4: {  	s1 =	sor.u32 s0, s1  }
0x5: {  	s6 =	rddreg [dreg:$0x0];
	s4 =	simm.s32 $0x1;
	s2 =	sshll.u32 s1, $0x7  }
0x6: {  	s7 =	simm.s32 $0x2;
	s12 =	simm.s32 $0x0;
	s1 =	ssub.s32 $0x4000, s2  }
0x7: {  	s8 =	simm.s32 $0x20000;
	s13 =	simm.s32 $0x0;
	s3 =	sand.u32 $0xF80, s1  }
0x8: {  	s9 =	simm.s32 $0x0;
	s5 =	sshrl.u32 s1, $0xC;
	p0 =	sne.s32 s3, $0x0  }
.Ltmp0:
0x9: {  	s1 =	rddreg [dreg:$0x2];
	s4 =	simm.s32 @!p0 $0x0;
	(pc) =	sbr.rel .LBB1_1-.Ltmp0, $4  }
0xa: {  	s11 =	simm.s32 $0x0;
	s3 =	rddreg [dreg:$0x1];
	s5 =	sadd.s32 s4, s5  }
0xb: {  	_ =	strace $0x8000004A;
	s4 =	simm.s32 $0x1;
	s5 =	smul.u32 $0x32, s5  }
0xc: {  	s6 =	sadd.s32 $0xA00, s6;
	s10 =	smov.u32 s2;
	[sflag:s4] =	ssyncpa.u1 $0x0  }
0xd: {  	p0 =	por $0x0, $0x0;
	[sflag:s7] =	ssyncpa.u1 $0x0;
	s7 =	sor.u32 $0x1, s5  }
.LBB1_4:
0xe: {  	s16 =	sshll.u32 s13, $0x3;
	s17 =	sand.u32 $0x78, s13  }
0xf: {  	s30 =	sand.u32 $0x1F800, s13;
	s12 =	sshll.u32 s12, $0x11;
	s16 =	sand.u32 $0x3C00, s16  }
0x10: {  	[tilespmem:s15+$0x810 ss:$0x81] =	vst.msk $0xffff, v2;
	s31 =	sand.u32 $0x7, s13;
	s16 =	sor.u32 s17, s16;
	s17 =	sadd.s32 s3, s30  }
0x11: {  	[tilespmem:s15+$0x1020 ss:$0x81] =	vst.msk $0xffff, v0;
	s13 =	sshll.u32 s31, $0x12;
	s12 =	sadd.s32 s12, s17;
	s16 =	sshrl.u32 s16, $0x3  }
0x12: {  	[tilespmem:s15+$0x0 ss:$0x81] =	vst.msk $0xffff, v1;
	s13 =	sor.u32 $0x400, s13;
	s12 =	sadd.s32 s16, s12  }
0x13: {  	[hbm4b:s12+s13] =	stream.strided.scatter [tilespmem:s14], [sflag:$0x2], $0x2000, s8, s13, $0x20;
	[tilespmem:$0x8080] =	vst v63  }
.LBB1_5:
0x14: {  	s14 =	sadd.s32 $0x1, s9  }
0x15: {  	s12 =	sadd.s32 $0x1000, s10;
	s16 =	smov.u32 s10;
	p2 =	sgt.s32 s14, $0x31  }
0x16: {  	s16 =	smov.u32 @p2 s12  }
0x17: {  	s14 =	simm.s32 @p2 $0x0;
	p2 =	sgt.s32 s16, $0x3FFF  }
0x18: {  	s16 =	smov.u32 @p2 s2;
	p2 =	sne.s32 s11, s7  }
.Ltmp1:
0x19: {  	p1 =	slt.u32 s11, $0x2;
	(pc) =	sbr.rel @!p2 .LBB1_6-.Ltmp1, $4  }
0x1a: {  	s15 =	simm.s32 @!p1 $0x2  }
0x1b: {  	s13 =	smov.u32 s10;
	p0 =	por !p0, !p0;
	_ =	swait.ge @!p1 [sflag:s15], $0x2000  }
0x1c: {  	s12 =	smov.u32 s9;
	[sflag:s15] =	ssyncset.done @!p1 $0x0;
	s9 =	smov.u32 s14  }
0x1d: {  	s11 =	sadd.s32 $0x1, s11;
	[sflag:s15] =	ssyncadd.s32 @!p1 $0xFFFFE000;
	s10 =	smov.u32 s16  }
.LBB1_1:
0x1e: {  	p1 =	sge.u32 s11, s5  }
0x1f: {  	s14 =	sand.u32 @!p1 $0x1FFFFFF, s9  }
0x20: {  	s15 =	smulhi.u32 @!p1 $0x4924925, s14;
	_ =	sdelay $0x1  }
0x21: {  	s15 =	smul.u32 @!p1 $0x38, s15  }
0x22: {  	s16 =	sxor.u32 @!p1 $0xFFFFFFFF, s11;
	s17 =	smul.u32 @!p1 $0x380, s10  }
0x23: {  	s31 =	sadd.s32 $0xFFFFFFFF, s11;
	s16 =	sshll.u32 @!p1 s16, $0xD;
	s14 =	ssub.s32 @!p1 s14, s15  }
0x24: {  	s15 =	sand.u32 @!p1 $0x2000, s16;
	s16 =	sadd.s32 @!p1 s6, s17;
	s14 =	sshll.u32 @!p1 s14, $0x4  }
0x25: {  	s17 =	simm.s32 @!p1 $0x1C00;
	s14 =	sadd.s32 @!p1 s14, s16;
	s16 =	simm.s32 @!p1 $0x40  }
0x26: {  	[tilespmem:s15], [sflag:$0x1] =	stream.strided.gather @!p1 [hbm4b:s14+s16], $0x2000, s17, s16, $0x38;
	[tilespmem:$0x8080] =	vst v63  }
0x27: {  	p1 =	sge.u32 s31, s5  }
.Ltmp2:
0x28: {  	_ = 	snop;
	(pc) =	sbr.rel @p1 .LBB1_5-.Ltmp2, $1  }
0x29: {  	_ =	sdelay $0x3  }
0x2a: {  	s14 =	simm.s32 $0x1  }
0x2b: {  	_ =	swait.ge [sflag:s4], $0x2000;
	s14 =	simm.s32 @!p0 $0x0  }
0x2c: {  	[sflag:s4] =	ssyncset.done $0x0;
	s15 =	sshll.u32 s14, $0xD  }
0x2d: {  	[sflag:s4] =	ssyncadd.s32 $0xFFFFE000;
	s18 =	sor.u32 $0x20, s15  }
0x2e: {  	s14 =	smul.u32 $0x8100, s14;
	v3 =	vld [tilespmem:s18+$0x10]  }
0x2f: {  	s30 =	sand.u32 $0x1, s11;
	v2 =	vld [tilespmem:s18+$0xFFFFFFF0]  }
0x30: {  	s15 =	smul.u32 $0x8100, s30;
	s14 =	sshrl.u32 s14, $0x2;
	v0 =	vld [tilespmem:s18+$0x0]  }
0x31: {  	v1 =	vld [tilespmem:s18+$0xFFFFFFE0];
	s16 =	sor.u32 $0x4000, s14  }
0x32: {  	s31 =	sshrl.u32 s15, $0x2;
	s15 =	sadd.s32 $0x0, s16  }
0x33: {  	s17 =	simm.s32 $0x4;
	s18 =	sadd.s32 $0x40, s18;
	s14 =	sor.u32 $0x4000, s31;
	[tilespmem:s15+$0x1830 ss:$0x81] =	vst.msk $0xffff, v3  }
.LBB1_3:
0x34: {  	v3 =	vld [tilespmem:s18+$0x10];
	p1 =	sne.s32 s17, $0x1FC;
	[tilespmem:s15+$0x810 ss:$0x81] =	vst.msk $0xffff, v2;
	s19 =	smov.u32 s17;
	s17 =	sadd.s32 $0x4, s17  }
.Ltmp3:
0x35: {  	v2 =	vld [tilespmem:s18+$0xFFFFFFF0];
	[tilespmem:s15+$0x1020 ss:$0x81] =	vst.msk $0xffff, v0;
	(pc) =	sbr.rel @p1 .LBB1_3-.Ltmp3, $4  }
0x36: {  	v0 =	vld [tilespmem:s18+$0x0];
	[tilespmem:s15+$0x0 ss:$0x81] =	vst.msk $0xffff, v1  }
0x37: {  	s15 =	sshra.s32 s19, $0x2;
	v1 =	vld [tilespmem:s18+$0xFFFFFFE0]  }
0x38: {  	s15 =	sadd.s32 s15, s16  }
0x39: {  	s18 =	sadd.s32 $0x40, s18;
	[tilespmem:s15+$0x1830 ss:$0x81] =	vst.msk $0xffff, v3  }
.Ltmp4:
0x3a: {  	_ = 	snop;
	(pc) =	sbr.rel .LBB1_4-.Ltmp4, $1  }
0x3b: {  	_ =	sdelay $0x3  }
.LBB1_6:
0x3c: {  	_ =	sfence.sel $0x180000  }
0x3d: {  	s2 =	simm.s32 $0x1;
	[bflag:$0x0] =	sbarrier.arrive $0xFFFF  }
0x3e: {  	s31 =	simm.s32 $0x2;
	[sflag:s2] =	ssyncpa.u1 $0x1  }
0x3f: {  	[sflag:s31] =	ssyncpa.u1 $0x1  }
0x40: {  	p0 =	sne.s32 s0, $0x0;
	_ =	strace $0x9000004A  }
0x41: {  	s0 =	sadd.s32 @!p0 $0x100000, s1;
	[bflag:$0x2] =	sbarrier.arrive $0xFFFF  }
0x42: {  	[sflag:s0] =	ssyncadd.tile.s32 @!p0 $0x1;
	_ =	shalt  }
.Lfunc_end1:
_tile_overlayer_lowered:
.L_overlay_start_2:
0x43: {  	(tag) =	ssettag $0x2  }
0x44: {  	s0 =	rddreg [dreg:$0x0];
	s2 =	stileid.u32  }
0x45: {  	s1 =	rddreg [dreg:$0x1];
	p0 =	sne.s32 s2, $0x0  }
0x46: {  	s3 =	rddreg [dreg:$0x2];
	[bflag:$0x3] =	sbarrier.arrive $0xFFFF;
	s2 =	simm.s32 @!p0 $0x1C01  }
0x47: {  	[timem:s3], [sflag:s2] =	dma.local @!p0 [hbm:s0], s1  }
0x48: {  	s0 =	simm.s32 @!p0 $0x1  }
0x49: {  	_ =	swait.ge @!p0 [sflag:s0], s1  }
0x4a: {  	s1 =	ssub.s32 @!p0 $0x0, s1;
	[sflag:s0] =	ssyncset.done @!p0 $0x0  }
0x4b: {  	[sflag:s0] =	ssyncadd.s32 @!p0 s1  }
0x4c: {  	[bflag:$0x3] =	sbarrier.arrive $0xFFFF  }
0x4d: {  	_ =	shalt  }

</sc_bundles>
